<compile_context>
chip_gen: v7x
topology: tpu7x:2x2x1
jax: 0.10.2.dev20260603
libtpu: 0.0.44.dev20260713+nightly
codegen_flags: <defaults>
</compile_context>

<pallas_src>
import jax
import jax.numpy as jnp
from jax import lax
from jax.experimental import pallas as pl
from jax.experimental.pallas import tpu as pltpu
from jax.experimental.pallas import tpu_sc as plsc

DIM = 200
SEQ = 16906
COLS = 16896
CW = 2816
NROWCHUNKS = DIM // 8
NCOLCHUNKS = COLS // CW
NCHUNKS = NROWCHUNKS * NCOLCHUNKS
NW = 32


def _sc_body(src_hbm, out_hbm, b0, b1, b2, rs0, rs1, rs2, ws0, ws1, ws2):
    wid = lax.axis_index("s") * 2 + lax.axis_index("c")

    def src_sl(c):
        r = (c % NROWCHUNKS) * 8
        col = (c // NROWCHUNKS) * CW
        return src_hbm.at[pl.ds(r, 8), pl.ds(col, CW)]

    def out_sl(c):
        r = (c % NROWCHUNKS) * 8
        col = (c // NROWCHUNKS) * CW
        return out_hbm.at[pl.ds(r, 8), pl.ds(col, CW)]

    c = [wid + NW * k for k in range(5)]
    has5 = c[4] < NCHUNKS

    @pl.when(has5)
    def _fire5():
        pltpu.async_copy(src_sl(c[4]), b2, rs2)

    r0 = pltpu.async_copy(src_sl(c[0]), b0, rs0)
    r1 = pltpu.async_copy(src_sl(c[1]), b1, rs1)
    r0.wait()
    w0 = pltpu.async_copy(b0, out_sl(c[0]), ws0)
    r1.wait()
    w1 = pltpu.async_copy(b1, out_sl(c[1]), ws1)
    w0.wait()
    r2 = pltpu.async_copy(src_sl(c[2]), b0, rs0)
    r2.wait()
    w2 = pltpu.async_copy(b0, out_sl(c[2]), ws0)
    w1.wait()
    r3 = pltpu.async_copy(src_sl(c[3]), b1, rs1)
    r3.wait()
    w3 = pltpu.async_copy(b1, out_sl(c[3]), ws1)

    @pl.when(has5)
    def _write5():
        pltpu.make_async_copy(src_sl(c[4]), b2, rs2).wait()
        pltpu.async_copy(b2, out_sl(c[4]), ws2)

    w2.wait()
    w3.wait()

    @pl.when(has5)
    def _drain5():
        pltpu.make_async_copy(b2, out_sl(c[4]), ws2).wait()


def _tc_tail_body(part_ref, src_ref, out_ref):
    del part_ref
    out_ref[...] = src_ref[...]


def kernel(x, table):
    del x
    tsrc = jnp.swapaxes(table, 0, 1)
    sc_run = pl.kernel(
        _sc_body,
        out_type=jax.ShapeDtypeStruct((DIM, SEQ), jnp.float32),
        mesh=plsc.VectorSubcoreMesh(core_axis_name="c", subcore_axis_name="s"),
        scratch_types=[pltpu.VMEM((8, CW), jnp.float32),
                       pltpu.VMEM((8, CW), jnp.float32),
                       pltpu.VMEM((8, CW), jnp.float32),
                       pltpu.SemaphoreType.DMA,
                       pltpu.SemaphoreType.DMA,
                       pltpu.SemaphoreType.DMA,
                       pltpu.SemaphoreType.DMA,
                       pltpu.SemaphoreType.DMA,
                       pltpu.SemaphoreType.DMA],
    )
    part = sc_run(tsrc)
    out_t = pl.pallas_call(
        _tc_tail_body,
        grid=(1,),
        in_specs=[
            pl.BlockSpec((8, 128), lambda i: (0, COLS // 128)),
            pl.BlockSpec((DIM, 128), lambda i: (0, COLS // 128)),
        ],
        out_specs=pl.BlockSpec((DIM, 128), lambda i: (0, COLS // 128)),
        out_shape=jax.ShapeDtypeStruct((DIM, SEQ), jnp.float32),
        input_output_aliases={0: 0},
    )(part, tsrc)
    return jnp.swapaxes(out_t, 0, 1)

# --- scband reference (transcript-rebuilt; emitter-appended) ---
"""Pipeline reference for scband-gene2-vec-positional-embedding-62225486184474 (READ-ONLY COPY).

The authoritative reference and input builder live on the scoring server;
editing this copy changes nothing except your own understanding.
"""

import jax, jax.numpy as jnp
import numpy as np

DIM = 200
MAX_SEQ_LEN = 16906
BATCH = 4

def setup_inputs(seed: int = 0) -> dict:
    key = jax.random.key(seed)
    k1, k2 = jax.random.split(key)
    x = jax.random.normal(k1, (BATCH, MAX_SEQ_LEN, DIM), dtype=jnp.float32)
    # pretrained gene2vec table: MAX_SEQ_LEN rows + 1 appended zero row (frozen embedding)
    table = jax.random.normal(k2, (MAX_SEQ_LEN, DIM), dtype=jnp.float32) * 0.02
    table = jnp.concatenate([table, jnp.zeros((1, DIM), dtype=jnp.float32)], axis=0)
    return {"x": x, "table": table}

def reference(x, table):
    # forward: t = arange(x.shape[1]); return emb(t)
    t = jnp.arange(x.shape[1])
    return jnp.take(table, t, axis=0)

if __name__ == "__main__":
    import jax
    _d = setup_inputs()
    print(jax.jit(kernel)(*tuple(_d.values())))

</pallas_src>

<mosaic_0001>
#map = affine_map<(d0, d1) -> (0, 0)>
module attributes {stable_mosaic.version = 14 : i64} {
  func.func @_sc_body(%arg0: i32, %arg1: i32, %arg2: memref<200x16907xf32, #tpu.memory_space<hbm>>, %arg3: memref<200x16906xf32, #tpu.memory_space<hbm>>, %arg4: memref<8x2816xf32, #tpu.memory_space<vmem>>, %arg5: memref<8x2816xf32, #tpu.memory_space<vmem>>, %arg6: memref<8x2816xf32, #tpu.memory_space<vmem>>, %arg7: memref<!tpu.dma_semaphore, #tpu.memory_space<semaphore_mem>>, %arg8: memref<!tpu.dma_semaphore, #tpu.memory_space<semaphore_mem>>, %arg9: memref<!tpu.dma_semaphore, #tpu.memory_space<semaphore_mem>>, %arg10: memref<!tpu.dma_semaphore, #tpu.memory_space<semaphore_mem>>, %arg11: memref<!tpu.dma_semaphore, #tpu.memory_space<semaphore_mem>>, %arg12: memref<!tpu.dma_semaphore, #tpu.memory_space<semaphore_mem>>) attributes {dimension_semantics = [#tpu.dimension_semantics<core_parallel>, #tpu.dimension_semantics<subcore_parallel>], iteration_bounds = array<i64: 2, 16>, scalar_prefetch = 0 : i64, scratch_operands = 9 : i64, tpu.core_type = #tpu.core_type<sc_vector_subcore>, window_params = [{transform_indices = #map}, {transform_indices = #map}]} {
    %mul3A = arith.constant 2 : i32
    %mul3A_0 = arith.muli %arg1, %mul3A : i32
    %add3A = arith.addi %mul3A_0, %arg0 : i32
    %add3A_1 = arith.constant 0 : i32
    %add3A_2 = arith.addi %add3A, %add3A_1 : i32
    %add3A_3 = arith.constant 32 : i32
    %add3A_4 = arith.addi %add3A, %add3A_3 : i32
    %add3A_5 = arith.constant 64 : i32
    %add3A_6 = arith.addi %add3A, %add3A_5 : i32
    %add3A_7 = arith.constant 96 : i32
    %add3A_8 = arith.addi %add3A, %add3A_7 : i32
    %add3A_9 = arith.constant 128 : i32
    %add3A_10 = arith.addi %add3A, %add3A_9 : i32
    %lt3A = arith.constant 150 : i32
    %lt3A_11 = arith.cmpi slt, %add3A_10, %lt3A : i32
    %convert_element_type3A = arith.extui %lt3A_11 : i1 to i32
    %cond3A = arith.constant 0 : i32
    %cond3A_12 = arith.cmpi ne, %convert_element_type3A, %cond3A : i32
    scf.if %cond3A_12 {
      %jit3A_392 = arith.constant 25 : i32
      %eq3A_393 = arith.constant 0 : i32
      %eq3A_394 = arith.cmpi eq, %jit3A_392, %eq3A_393 : i32
      %jit3A_395 = arith.constant 1 : i32
      %select_n3A_396 = arith.select %eq3A_394, %jit3A_395, %jit3A_392 : i32
      %rem3A_397 = arith.remsi %add3A_10, %select_n3A_396 : i32
      %ne3A_398 = arith.constant 0 : i32
      %ne3A_399 = arith.cmpi ne, %rem3A_397, %ne3A_398 : i32
      %lt3A_400 = arith.constant 0 : i32
      %lt3A_401 = arith.cmpi slt, %rem3A_397, %lt3A_400 : i32
      %lt3A_402 = arith.constant 0 : i32
      %lt3A_403 = arith.cmpi slt, %select_n3A_396, %lt3A_402 : i32
      %ne3A_404 = arith.xori %lt3A_401, %lt3A_403 : i1
      %and3A_405 = arith.andi %ne3A_404, %ne3A_399 : i1
      %add3A_406 = arith.addi %rem3A_397, %select_n3A_396 : i32
      %select_n3A_407 = arith.select %and3A_405, %add3A_406, %rem3A_397 : i32
      %mul3A_408 = arith.constant 8 : i32
      %mul3A_409 = arith.muli %select_n3A_407, %mul3A_408 : i32
      %jit3A_410 = arith.constant 25 : i32
      %div3A_411 = arith.divsi %add3A_10, %jit3A_410 : i32
      %sign3A_412 = arith.constant 0 : i32
      %sign3A_413 = arith.cmpi sgt, %add3A_10, %sign3A_412 : i32
      %sign3A_414 = arith.extui %sign3A_413 : i1 to i32
      %sign3A_415 = arith.constant 0 : i32
      %sign3A_416 = arith.cmpi slt, %add3A_10, %sign3A_415 : i32
      %sign3A_417 = arith.extui %sign3A_416 : i1 to i32
      %sign3A_418 = arith.subi %sign3A_414, %sign3A_417 : i32
      %sign3A_419 = arith.constant 0 : i32
      %sign3A_420 = arith.cmpi sgt, %jit3A_410, %sign3A_419 : i32
      %sign3A_421 = arith.extui %sign3A_420 : i1 to i32
      %sign3A_422 = arith.constant 0 : i32
      %sign3A_423 = arith.cmpi slt, %jit3A_410, %sign3A_422 : i32
      %sign3A_424 = arith.extui %sign3A_423 : i1 to i32
      %sign3A_425 = arith.subi %sign3A_421, %sign3A_424 : i32
      %ne3A_426 = arith.cmpi ne, %sign3A_418, %sign3A_425 : i32
      %rem3A_427 = arith.remsi %add3A_10, %jit3A_410 : i32
      %ne3A_428 = arith.constant 0 : i32
      %ne3A_429 = arith.cmpi ne, %rem3A_427, %ne3A_428 : i32
      %and3A_430 = arith.andi %ne3A_426, %ne3A_429 : i1
      %sub3A_431 = arith.constant 1 : i32
      %sub3A_432 = arith.subi %div3A_411, %sub3A_431 : i32
      %select_n3A_433 = arith.select %and3A_430, %sub3A_432, %div3A_411 : i32
      %mul3A_434 = arith.constant 2816 : i32
      %mul3A_435 = arith.muli %select_n3A_433, %mul3A_434 : i32
      %dma_start3A_436 = tpu.memref_slice %arg2[%mul3A_409, %mul3A_435] : memref<200x16907xf32, #tpu.memory_space<hbm>> -> memref<8x2816xf32, #tpu.memory_space<hbm>>
      %dma_start3A_437 = tpu.memref_slice %arg2[%mul3A_409, %mul3A_435] : memref<200x16907xf32, #tpu.memory_space<hbm>> -> memref<8x2816xf32, #tpu.memory_space<hbm>>
      tpu.enqueue_dma source(%dma_start3A_437 : memref<8x2816xf32, #tpu.memory_space<hbm>>) target(%arg6 : memref<8x2816xf32, #tpu.memory_space<vmem>>) target_semaphore(%arg9 : memref<!tpu.dma_semaphore, #tpu.memory_space<semaphore_mem>>)
    } else {
    }
    %jit3A = arith.constant 25 : i32
    %eq3A = arith.constant 0 : i32
    %eq3A_13 = arith.cmpi eq, %jit3A, %eq3A : i32
    %jit3A_14 = arith.constant 1 : i32
    %select_n3A = arith.select %eq3A_13, %jit3A_14, %jit3A : i32
    %rem3A = arith.remsi %add3A_2, %select_n3A : i32
    %ne3A = arith.constant 0 : i32
    %ne3A_15 = arith.cmpi ne, %rem3A, %ne3A : i32
    %lt3A_16 = arith.constant 0 : i32
    %lt3A_17 = arith.cmpi slt, %rem3A, %lt3A_16 : i32
    %lt3A_18 = arith.constant 0 : i32
    %lt3A_19 = arith.cmpi slt, %select_n3A, %lt3A_18 : i32
    %ne3A_20 = arith.xori %lt3A_17, %lt3A_19 : i1
    %and3A = arith.andi %ne3A_20, %ne3A_15 : i1
    %add3A_21 = arith.addi %rem3A, %select_n3A : i32
    %select_n3A_22 = arith.select %and3A, %add3A_21, %rem3A : i32
    %mul3A_23 = arith.constant 8 : i32
    %mul3A_24 = arith.muli %select_n3A_22, %mul3A_23 : i32
    %jit3A_25 = arith.constant 25 : i32
    %div3A = arith.divsi %add3A_2, %jit3A_25 : i32
    %sign3A = arith.constant 0 : i32
    %sign3A_26 = arith.cmpi sgt, %add3A_2, %sign3A : i32
    %sign3A_27 = arith.extui %sign3A_26 : i1 to i32
    %sign3A_28 = arith.constant 0 : i32
    %sign3A_29 = arith.cmpi slt, %add3A_2, %sign3A_28 : i32
    %sign3A_30 = arith.extui %sign3A_29 : i1 to i32
    %sign3A_31 = arith.subi %sign3A_27, %sign3A_30 : i32
    %sign3A_32 = arith.constant 0 : i32
    %sign3A_33 = arith.cmpi sgt, %jit3A_25, %sign3A_32 : i32
    %sign3A_34 = arith.extui %sign3A_33 : i1 to i32
    %sign3A_35 = arith.constant 0 : i32
    %sign3A_36 = arith.cmpi slt, %jit3A_25, %sign3A_35 : i32
    %sign3A_37 = arith.extui %sign3A_36 : i1 to i32
    %sign3A_38 = arith.subi %sign3A_34, %sign3A_37 : i32
    %ne3A_39 = arith.cmpi ne, %sign3A_31, %sign3A_38 : i32
    %rem3A_40 = arith.remsi %add3A_2, %jit3A_25 : i32
    %ne3A_41 = arith.constant 0 : i32
    %ne3A_42 = arith.cmpi ne, %rem3A_40, %ne3A_41 : i32
    %and3A_43 = arith.andi %ne3A_39, %ne3A_42 : i1
    %sub3A = arith.constant 1 : i32
    %sub3A_44 = arith.subi %div3A, %sub3A : i32
    %select_n3A_45 = arith.select %and3A_43, %sub3A_44, %div3A : i32
    %mul3A_46 = arith.constant 2816 : i32
    %mul3A_47 = arith.muli %select_n3A_45, %mul3A_46 : i32
    %dma_start3A = tpu.memref_slice %arg2[%mul3A_24, %mul3A_47] : memref<200x16907xf32, #tpu.memory_space<hbm>> -> memref<8x2816xf32, #tpu.memory_space<hbm>>
    %dma_start3A_48 = tpu.memref_slice %arg2[%mul3A_24, %mul3A_47] : memref<200x16907xf32, #tpu.memory_space<hbm>> -> memref<8x2816xf32, #tpu.memory_space<hbm>>
    tpu.enqueue_dma source(%dma_start3A_48 : memref<8x2816xf32, #tpu.memory_space<hbm>>) target(%arg4 : memref<8x2816xf32, #tpu.memory_space<vmem>>) target_semaphore(%arg7 : memref<!tpu.dma_semaphore, #tpu.memory_space<semaphore_mem>>)
    %jit3A_49 = arith.constant 25 : i32
    %eq3A_50 = arith.constant 0 : i32
    %eq3A_51 = arith.cmpi eq, %jit3A_49, %eq3A_50 : i32
    %jit3A_52 = arith.constant 1 : i32
    %select_n3A_53 = arith.select %eq3A_51, %jit3A_52, %jit3A_49 : i32
    %rem3A_54 = arith.remsi %add3A_4, %select_n3A_53 : i32
    %ne3A_55 = arith.constant 0 : i32
    %ne3A_56 = arith.cmpi ne, %rem3A_54, %ne3A_55 : i32
    %lt3A_57 = arith.constant 0 : i32
    %lt3A_58 = arith.cmpi slt, %rem3A_54, %lt3A_57 : i32
    %lt3A_59 = arith.constant 0 : i32
    %lt3A_60 = arith.cmpi slt, %select_n3A_53, %lt3A_59 : i32
    %ne3A_61 = arith.xori %lt3A_58, %lt3A_60 : i1
    %and3A_62 = arith.andi %ne3A_61, %ne3A_56 : i1
    %add3A_63 = arith.addi %rem3A_54, %select_n3A_53 : i32
    %select_n3A_64 = arith.select %and3A_62, %add3A_63, %rem3A_54 : i32
    %mul3A_65 = arith.constant 8 : i32
    %mul3A_66 = arith.muli %select_n3A_64, %mul3A_65 : i32
    %jit3A_67 = arith.constant 25 : i32
    %div3A_68 = arith.divsi %add3A_4, %jit3A_67 : i32
    %sign3A_69 = arith.constant 0 : i32
    %sign3A_70 = arith.cmpi sgt, %add3A_4, %sign3A_69 : i32
    %sign3A_71 = arith.extui %sign3A_70 : i1 to i32
    %sign3A_72 = arith.constant 0 : i32
    %sign3A_73 = arith.cmpi slt, %add3A_4, %sign3A_72 : i32
    %sign3A_74 = arith.extui %sign3A_73 : i1 to i32
    %sign3A_75 = arith.subi %sign3A_71, %sign3A_74 : i32
    %sign3A_76 = arith.constant 0 : i32
    %sign3A_77 = arith.cmpi sgt, %jit3A_67, %sign3A_76 : i32
    %sign3A_78 = arith.extui %sign3A_77 : i1 to i32
    %sign3A_79 = arith.constant 0 : i32
    %sign3A_80 = arith.cmpi slt, %jit3A_67, %sign3A_79 : i32
    %sign3A_81 = arith.extui %sign3A_80 : i1 to i32
    %sign3A_82 = arith.subi %sign3A_78, %sign3A_81 : i32
    %ne3A_83 = arith.cmpi ne, %sign3A_75, %sign3A_82 : i32
    %rem3A_84 = arith.remsi %add3A_4, %jit3A_67 : i32
    %ne3A_85 = arith.constant 0 : i32
    %ne3A_86 = arith.cmpi ne, %rem3A_84, %ne3A_85 : i32
    %and3A_87 = arith.andi %ne3A_83, %ne3A_86 : i1
    %sub3A_88 = arith.constant 1 : i32
    %sub3A_89 = arith.subi %div3A_68, %sub3A_88 : i32
    %select_n3A_90 = arith.select %and3A_87, %sub3A_89, %div3A_68 : i32
    %mul3A_91 = arith.constant 2816 : i32
    %mul3A_92 = arith.muli %select_n3A_90, %mul3A_91 : i32
    %dma_start3A_93 = tpu.memref_slice %arg2[%mul3A_66, %mul3A_92] : memref<200x16907xf32, #tpu.memory_space<hbm>> -> memref<8x2816xf32, #tpu.memory_space<hbm>>
    %dma_start3A_94 = tpu.memref_slice %arg2[%mul3A_66, %mul3A_92] : memref<200x16907xf32, #tpu.memory_space<hbm>> -> memref<8x2816xf32, #tpu.memory_space<hbm>>
    tpu.enqueue_dma source(%dma_start3A_94 : memref<8x2816xf32, #tpu.memory_space<hbm>>) target(%arg5 : memref<8x2816xf32, #tpu.memory_space<vmem>>) target_semaphore(%arg8 : memref<!tpu.dma_semaphore, #tpu.memory_space<semaphore_mem>>)
    %dma_wait3A = tpu.memref_slice %arg2[%mul3A_24, %mul3A_47] : memref<200x16907xf32, #tpu.memory_space<hbm>> -> memref<8x2816xf32, #tpu.memory_space<hbm>>
    %dma_wait3A_95 = tpu.memref_slice %arg2[%mul3A_24, %mul3A_47] : memref<200x16907xf32, #tpu.memory_space<hbm>> -> memref<8x2816xf32, #tpu.memory_space<hbm>>
    tpu.wait_dma2 semaphore(%arg7 : memref<!tpu.dma_semaphore, #tpu.memory_space<semaphore_mem>>) src(%dma_wait3A_95 : memref<8x2816xf32, #tpu.memory_space<hbm>>) dst(%arg4 : memref<8x2816xf32, #tpu.memory_space<vmem>>)
    %jit3A_96 = arith.constant 25 : i32
    %eq3A_97 = arith.constant 0 : i32
    %eq3A_98 = arith.cmpi eq, %jit3A_96, %eq3A_97 : i32
    %jit3A_99 = arith.constant 1 : i32
    %select_n3A_100 = arith.select %eq3A_98, %jit3A_99, %jit3A_96 : i32
    %rem3A_101 = arith.remsi %add3A_2, %select_n3A_100 : i32
    %ne3A_102 = arith.constant 0 : i32
    %ne3A_103 = arith.cmpi ne, %rem3A_101, %ne3A_102 : i32
    %lt3A_104 = arith.constant 0 : i32
    %lt3A_105 = arith.cmpi slt, %rem3A_101, %lt3A_104 : i32
    %lt3A_106 = arith.constant 0 : i32
    %lt3A_107 = arith.cmpi slt, %select_n3A_100, %lt3A_106 : i32
    %ne3A_108 = arith.xori %lt3A_105, %lt3A_107 : i1
    %and3A_109 = arith.andi %ne3A_108, %ne3A_103 : i1
    %add3A_110 = arith.addi %rem3A_101, %select_n3A_100 : i32
    %select_n3A_111 = arith.select %and3A_109, %add3A_110, %rem3A_101 : i32
    %mul3A_112 = arith.constant 8 : i32
    %mul3A_113 = arith.muli %select_n3A_111, %mul3A_112 : i32
    %jit3A_114 = arith.constant 25 : i32
    %div3A_115 = arith.divsi %add3A_2, %jit3A_114 : i32
    %sign3A_116 = arith.constant 0 : i32
    %sign3A_117 = arith.cmpi sgt, %add3A_2, %sign3A_116 : i32
    %sign3A_118 = arith.extui %sign3A_117 : i1 to i32
    %sign3A_119 = arith.constant 0 : i32
    %sign3A_120 = arith.cmpi slt, %add3A_2, %sign3A_119 : i32
    %sign3A_121 = arith.extui %sign3A_120 : i1 to i32
    %sign3A_122 = arith.subi %sign3A_118, %sign3A_121 : i32
    %sign3A_123 = arith.constant 0 : i32
    %sign3A_124 = arith.cmpi sgt, %jit3A_114, %sign3A_123 : i32
    %sign3A_125 = arith.extui %sign3A_124 : i1 to i32
    %sign3A_126 = arith.constant 0 : i32
    %sign3A_127 = arith.cmpi slt, %jit3A_114, %sign3A_126 : i32
    %sign3A_128 = arith.extui %sign3A_127 : i1 to i32
    %sign3A_129 = arith.subi %sign3A_125, %sign3A_128 : i32
    %ne3A_130 = arith.cmpi ne, %sign3A_122, %sign3A_129 : i32
    %rem3A_131 = arith.remsi %add3A_2, %jit3A_114 : i32
    %ne3A_132 = arith.constant 0 : i32
    %ne3A_133 = arith.cmpi ne, %rem3A_131, %ne3A_132 : i32
    %and3A_134 = arith.andi %ne3A_130, %ne3A_133 : i1
    %sub3A_135 = arith.constant 1 : i32
    %sub3A_136 = arith.subi %div3A_115, %sub3A_135 : i32
    %select_n3A_137 = arith.select %and3A_134, %sub3A_136, %div3A_115 : i32
    %mul3A_138 = arith.constant 2816 : i32
    %mul3A_139 = arith.muli %select_n3A_137, %mul3A_138 : i32
    %dma_start3A_140 = tpu.memref_slice %arg3[%mul3A_113, %mul3A_139] : memref<200x16906xf32, #tpu.memory_space<hbm>> -> memref<8x2816xf32, #tpu.memory_space<hbm>>
    %dma_start3A_141 = tpu.memref_slice %arg3[%mul3A_113, %mul3A_139] : memref<200x16906xf32, #tpu.memory_space<hbm>> -> memref<8x2816xf32, #tpu.memory_space<hbm>>
    tpu.enqueue_dma source(%arg4 : memref<8x2816xf32, #tpu.memory_space<vmem>>) target(%dma_start3A_141 : memref<8x2816xf32, #tpu.memory_space<hbm>>) target_semaphore(%arg10 : memref<!tpu.dma_semaphore, #tpu.memory_space<semaphore_mem>>)
    %dma_wait3A_142 = tpu.memref_slice %arg2[%mul3A_66, %mul3A_92] : memref<200x16907xf32, #tpu.memory_space<hbm>> -> memref<8x2816xf32, #tpu.memory_space<hbm>>
    %dma_wait3A_143 = tpu.memref_slice %arg2[%mul3A_66, %mul3A_92] : memref<200x16907xf32, #tpu.memory_space<hbm>> -> memref<8x2816xf32, #tpu.memory_space<hbm>>
    tpu.wait_dma2 semaphore(%arg8 : memref<!tpu.dma_semaphore, #tpu.memory_space<semaphore_mem>>) src(%dma_wait3A_143 : memref<8x2816xf32, #tpu.memory_space<hbm>>) dst(%arg5 : memref<8x2816xf32, #tpu.memory_space<vmem>>)
    %jit3A_144 = arith.constant 25 : i32
    %eq3A_145 = arith.constant 0 : i32
    %eq3A_146 = arith.cmpi eq, %jit3A_144, %eq3A_145 : i32
    %jit3A_147 = arith.constant 1 : i32
    %select_n3A_148 = arith.select %eq3A_146, %jit3A_147, %jit3A_144 : i32
    %rem3A_149 = arith.remsi %add3A_4, %select_n3A_148 : i32
    %ne3A_150 = arith.constant 0 : i32
    %ne3A_151 = arith.cmpi ne, %rem3A_149, %ne3A_150 : i32
    %lt3A_152 = arith.constant 0 : i32
    %lt3A_153 = arith.cmpi slt, %rem3A_149, %lt3A_152 : i32
    %lt3A_154 = arith.constant 0 : i32
    %lt3A_155 = arith.cmpi slt, %select_n3A_148, %lt3A_154 : i32
    %ne3A_156 = arith.xori %lt3A_153, %lt3A_155 : i1
    %and3A_157 = arith.andi %ne3A_156, %ne3A_151 : i1
    %add3A_158 = arith.addi %rem3A_149, %select_n3A_148 : i32
    %select_n3A_159 = arith.select %and3A_157, %add3A_158, %rem3A_149 : i32
    %mul3A_160 = arith.constant 8 : i32
    %mul3A_161 = arith.muli %select_n3A_159, %mul3A_160 : i32
    %jit3A_162 = arith.constant 25 : i32
    %div3A_163 = arith.divsi %add3A_4, %jit3A_162 : i32
    %sign3A_164 = arith.constant 0 : i32
    %sign3A_165 = arith.cmpi sgt, %add3A_4, %sign3A_164 : i32
    %sign3A_166 = arith.extui %sign3A_165 : i1 to i32
    %sign3A_167 = arith.constant 0 : i32
    %sign3A_168 = arith.cmpi slt, %add3A_4, %sign3A_167 : i32
    %sign3A_169 = arith.extui %sign3A_168 : i1 to i32
    %sign3A_170 = arith.subi %sign3A_166, %sign3A_169 : i32
    %sign3A_171 = arith.constant 0 : i32
    %sign3A_172 = arith.cmpi sgt, %jit3A_162, %sign3A_171 : i32
    %sign3A_173 = arith.extui %sign3A_172 : i1 to i32
    %sign3A_174 = arith.constant 0 : i32
    %sign3A_175 = arith.cmpi slt, %jit3A_162, %sign3A_174 : i32
    %sign3A_176 = arith.extui %sign3A_175 : i1 to i32
    %sign3A_177 = arith.subi %sign3A_173, %sign3A_176 : i32
    %ne3A_178 = arith.cmpi ne, %sign3A_170, %sign3A_177 : i32
    %rem3A_179 = arith.remsi %add3A_4, %jit3A_162 : i32
    %ne3A_180 = arith.constant 0 : i32
    %ne3A_181 = arith.cmpi ne, %rem3A_179, %ne3A_180 : i32
    %and3A_182 = arith.andi %ne3A_178, %ne3A_181 : i1
    %sub3A_183 = arith.constant 1 : i32
    %sub3A_184 = arith.subi %div3A_163, %sub3A_183 : i32
    %select_n3A_185 = arith.select %and3A_182, %sub3A_184, %div3A_163 : i32
    %mul3A_186 = arith.constant 2816 : i32
    %mul3A_187 = arith.muli %select_n3A_185, %mul3A_186 : i32
    %dma_start3A_188 = tpu.memref_slice %arg3[%mul3A_161, %mul3A_187] : memref<200x16906xf32, #tpu.memory_space<hbm>> -> memref<8x2816xf32, #tpu.memory_space<hbm>>
    %dma_start3A_189 = tpu.memref_slice %arg3[%mul3A_161, %mul3A_187] : memref<200x16906xf32, #tpu.memory_space<hbm>> -> memref<8x2816xf32, #tpu.memory_space<hbm>>
    tpu.enqueue_dma source(%arg5 : memref<8x2816xf32, #tpu.memory_space<vmem>>) target(%dma_start3A_189 : memref<8x2816xf32, #tpu.memory_space<hbm>>) target_semaphore(%arg11 : memref<!tpu.dma_semaphore, #tpu.memory_space<semaphore_mem>>)
    %dma_wait3A_190 = tpu.memref_slice %arg3[%mul3A_113, %mul3A_139] : memref<200x16906xf32, #tpu.memory_space<hbm>> -> memref<8x2816xf32, #tpu.memory_space<hbm>>
    %dma_wait3A_191 = tpu.memref_slice %arg3[%mul3A_113, %mul3A_139] : memref<200x16906xf32, #tpu.memory_space<hbm>> -> memref<8x2816xf32, #tpu.memory_space<hbm>>
    tpu.wait_dma2 semaphore(%arg10 : memref<!tpu.dma_semaphore, #tpu.memory_space<semaphore_mem>>) src(%arg4 : memref<8x2816xf32, #tpu.memory_space<vmem>>) dst(%dma_wait3A_191 : memref<8x2816xf32, #tpu.memory_space<hbm>>)
    %jit3A_192 = arith.constant 25 : i32
    %eq3A_193 = arith.constant 0 : i32
    %eq3A_194 = arith.cmpi eq, %jit3A_192, %eq3A_193 : i32
    %jit3A_195 = arith.constant 1 : i32
    %select_n3A_196 = arith.select %eq3A_194, %jit3A_195, %jit3A_192 : i32
    %rem3A_197 = arith.remsi %add3A_6, %select_n3A_196 : i32
    %ne3A_198 = arith.constant 0 : i32
    %ne3A_199 = arith.cmpi ne, %rem3A_197, %ne3A_198 : i32
    %lt3A_200 = arith.constant 0 : i32
    %lt3A_201 = arith.cmpi slt, %rem3A_197, %lt3A_200 : i32
    %lt3A_202 = arith.constant 0 : i32
    %lt3A_203 = arith.cmpi slt, %select_n3A_196, %lt3A_202 : i32
    %ne3A_204 = arith.xori %lt3A_201, %lt3A_203 : i1
    %and3A_205 = arith.andi %ne3A_204, %ne3A_199 : i1
    %add3A_206 = arith.addi %rem3A_197, %select_n3A_196 : i32
    %select_n3A_207 = arith.select %and3A_205, %add3A_206, %rem3A_197 : i32
    %mul3A_208 = arith.constant 8 : i32
    %mul3A_209 = arith.muli %select_n3A_207, %mul3A_208 : i32
    %jit3A_210 = arith.constant 25 : i32
    %div3A_211 = arith.divsi %add3A_6, %jit3A_210 : i32
    %sign3A_212 = arith.constant 0 : i32
    %sign3A_213 = arith.cmpi sgt, %add3A_6, %sign3A_212 : i32
    %sign3A_214 = arith.extui %sign3A_213 : i1 to i32
    %sign3A_215 = arith.constant 0 : i32
    %sign3A_216 = arith.cmpi slt, %add3A_6, %sign3A_215 : i32
    %sign3A_217 = arith.extui %sign3A_216 : i1 to i32
    %sign3A_218 = arith.subi %sign3A_214, %sign3A_217 : i32
    %sign3A_219 = arith.constant 0 : i32
    %sign3A_220 = arith.cmpi sgt, %jit3A_210, %sign3A_219 : i32
    %sign3A_221 = arith.extui %sign3A_220 : i1 to i32
    %sign3A_222 = arith.constant 0 : i32
    %sign3A_223 = arith.cmpi slt, %jit3A_210, %sign3A_222 : i32
    %sign3A_224 = arith.extui %sign3A_223 : i1 to i32
    %sign3A_225 = arith.subi %sign3A_221, %sign3A_224 : i32
    %ne3A_226 = arith.cmpi ne, %sign3A_218, %sign3A_225 : i32
    %rem3A_227 = arith.remsi %add3A_6, %jit3A_210 : i32
    %ne3A_228 = arith.constant 0 : i32
    %ne3A_229 = arith.cmpi ne, %rem3A_227, %ne3A_228 : i32
    %and3A_230 = arith.andi %ne3A_226, %ne3A_229 : i1
    %sub3A_231 = arith.constant 1 : i32
    %sub3A_232 = arith.subi %div3A_211, %sub3A_231 : i32
    %select_n3A_233 = arith.select %and3A_230, %sub3A_232, %div3A_211 : i32
    %mul3A_234 = arith.constant 2816 : i32
    %mul3A_235 = arith.muli %select_n3A_233, %mul3A_234 : i32
    %dma_start3A_236 = tpu.memref_slice %arg2[%mul3A_209, %mul3A_235] : memref<200x16907xf32, #tpu.memory_space<hbm>> -> memref<8x2816xf32, #tpu.memory_space<hbm>>
    %dma_start3A_237 = tpu.memref_slice %arg2[%mul3A_209, %mul3A_235] : memref<200x16907xf32, #tpu.memory_space<hbm>> -> memref<8x2816xf32, #tpu.memory_space<hbm>>
    tpu.enqueue_dma source(%dma_start3A_237 : memref<8x2816xf32, #tpu.memory_space<hbm>>) target(%arg4 : memref<8x2816xf32, #tpu.memory_space<vmem>>) target_semaphore(%arg7 : memref<!tpu.dma_semaphore, #tpu.memory_space<semaphore_mem>>)
    %dma_wait3A_238 = tpu.memref_slice %arg2[%mul3A_209, %mul3A_235] : memref<200x16907xf32, #tpu.memory_space<hbm>> -> memref<8x2816xf32, #tpu.memory_space<hbm>>
    %dma_wait3A_239 = tpu.memref_slice %arg2[%mul3A_209, %mul3A_235] : memref<200x16907xf32, #tpu.memory_space<hbm>> -> memref<8x2816xf32, #tpu.memory_space<hbm>>
    tpu.wait_dma2 semaphore(%arg7 : memref<!tpu.dma_semaphore, #tpu.memory_space<semaphore_mem>>) src(%dma_wait3A_239 : memref<8x2816xf32, #tpu.memory_space<hbm>>) dst(%arg4 : memref<8x2816xf32, #tpu.memory_space<vmem>>)
    %jit3A_240 = arith.constant 25 : i32
    %eq3A_241 = arith.constant 0 : i32
    %eq3A_242 = arith.cmpi eq, %jit3A_240, %eq3A_241 : i32
    %jit3A_243 = arith.constant 1 : i32
    %select_n3A_244 = arith.select %eq3A_242, %jit3A_243, %jit3A_240 : i32
    %rem3A_245 = arith.remsi %add3A_6, %select_n3A_244 : i32
    %ne3A_246 = arith.constant 0 : i32
    %ne3A_247 = arith.cmpi ne, %rem3A_245, %ne3A_246 : i32
    %lt3A_248 = arith.constant 0 : i32
    %lt3A_249 = arith.cmpi slt, %rem3A_245, %lt3A_248 : i32
    %lt3A_250 = arith.constant 0 : i32
    %lt3A_251 = arith.cmpi slt, %select_n3A_244, %lt3A_250 : i32
    %ne3A_252 = arith.xori %lt3A_249, %lt3A_251 : i1
    %and3A_253 = arith.andi %ne3A_252, %ne3A_247 : i1
    %add3A_254 = arith.addi %rem3A_245, %select_n3A_244 : i32
    %select_n3A_255 = arith.select %and3A_253, %add3A_254, %rem3A_245 : i32
    %mul3A_256 = arith.constant 8 : i32
    %mul3A_257 = arith.muli %select_n3A_255, %mul3A_256 : i32
    %jit3A_258 = arith.constant 25 : i32
    %div3A_259 = arith.divsi %add3A_6, %jit3A_258 : i32
    %sign3A_260 = arith.constant 0 : i32
    %sign3A_261 = arith.cmpi sgt, %add3A_6, %sign3A_260 : i32
    %sign3A_262 = arith.extui %sign3A_261 : i1 to i32
    %sign3A_263 = arith.constant 0 : i32
    %sign3A_264 = arith.cmpi slt, %add3A_6, %sign3A_263 : i32
    %sign3A_265 = arith.extui %sign3A_264 : i1 to i32
    %sign3A_266 = arith.subi %sign3A_262, %sign3A_265 : i32
    %sign3A_267 = arith.constant 0 : i32
    %sign3A_268 = arith.cmpi sgt, %jit3A_258, %sign3A_267 : i32
    %sign3A_269 = arith.extui %sign3A_268 : i1 to i32
    %sign3A_270 = arith.constant 0 : i32
    %sign3A_271 = arith.cmpi slt, %jit3A_258, %sign3A_270 : i32
    %sign3A_272 = arith.extui %sign3A_271 : i1 to i32
    %sign3A_273 = arith.subi %sign3A_269, %sign3A_272 : i32
    %ne3A_274 = arith.cmpi ne, %sign3A_266, %sign3A_273 : i32
    %rem3A_275 = arith.remsi %add3A_6, %jit3A_258 : i32
    %ne3A_276 = arith.constant 0 : i32
    %ne3A_277 = arith.cmpi ne, %rem3A_275, %ne3A_276 : i32
    %and3A_278 = arith.andi %ne3A_274, %ne3A_277 : i1
    %sub3A_279 = arith.constant 1 : i32
    %sub3A_280 = arith.subi %div3A_259, %sub3A_279 : i32
    %select_n3A_281 = arith.select %and3A_278, %sub3A_280, %div3A_259 : i32
    %mul3A_282 = arith.constant 2816 : i32
    %mul3A_283 = arith.muli %select_n3A_281, %mul3A_282 : i32
    %dma_start3A_284 = tpu.memref_slice %arg3[%mul3A_257, %mul3A_283] : memref<200x16906xf32, #tpu.memory_space<hbm>> -> memref<8x2816xf32, #tpu.memory_space<hbm>>
    %dma_start3A_285 = tpu.memref_slice %arg3[%mul3A_257, %mul3A_283] : memref<200x16906xf32, #tpu.memory_space<hbm>> -> memref<8x2816xf32, #tpu.memory_space<hbm>>
    tpu.enqueue_dma source(%arg4 : memref<8x2816xf32, #tpu.memory_space<vmem>>) target(%dma_start3A_285 : memref<8x2816xf32, #tpu.memory_space<hbm>>) target_semaphore(%arg10 : memref<!tpu.dma_semaphore, #tpu.memory_space<semaphore_mem>>)
    %dma_wait3A_286 = tpu.memref_slice %arg3[%mul3A_161, %mul3A_187] : memref<200x16906xf32, #tpu.memory_space<hbm>> -> memref<8x2816xf32, #tpu.memory_space<hbm>>
    %dma_wait3A_287 = tpu.memref_slice %arg3[%mul3A_161, %mul3A_187] : memref<200x16906xf32, #tpu.memory_space<hbm>> -> memref<8x2816xf32, #tpu.memory_space<hbm>>
    tpu.wait_dma2 semaphore(%arg11 : memref<!tpu.dma_semaphore, #tpu.memory_space<semaphore_mem>>) src(%arg5 : memref<8x2816xf32, #tpu.memory_space<vmem>>) dst(%dma_wait3A_287 : memref<8x2816xf32, #tpu.memory_space<hbm>>)
    %jit3A_288 = arith.constant 25 : i32
    %eq3A_289 = arith.constant 0 : i32
    %eq3A_290 = arith.cmpi eq, %jit3A_288, %eq3A_289 : i32
    %jit3A_291 = arith.constant 1 : i32
    %select_n3A_292 = arith.select %eq3A_290, %jit3A_291, %jit3A_288 : i32
    %rem3A_293 = arith.remsi %add3A_8, %select_n3A_292 : i32
    %ne3A_294 = arith.constant 0 : i32
    %ne3A_295 = arith.cmpi ne, %rem3A_293, %ne3A_294 : i32
    %lt3A_296 = arith.constant 0 : i32
    %lt3A_297 = arith.cmpi slt, %rem3A_293, %lt3A_296 : i32
    %lt3A_298 = arith.constant 0 : i32
    %lt3A_299 = arith.cmpi slt, %select_n3A_292, %lt3A_298 : i32
    %ne3A_300 = arith.xori %lt3A_297, %lt3A_299 : i1
    %and3A_301 = arith.andi %ne3A_300, %ne3A_295 : i1
    %add3A_302 = arith.addi %rem3A_293, %select_n3A_292 : i32
    %select_n3A_303 = arith.select %and3A_301, %add3A_302, %rem3A_293 : i32
    %mul3A_304 = arith.constant 8 : i32
    %mul3A_305 = arith.muli %select_n3A_303, %mul3A_304 : i32
    %jit3A_306 = arith.constant 25 : i32
    %div3A_307 = arith.divsi %add3A_8, %jit3A_306 : i32
    %sign3A_308 = arith.constant 0 : i32
    %sign3A_309 = arith.cmpi sgt, %add3A_8, %sign3A_308 : i32
    %sign3A_310 = arith.extui %sign3A_309 : i1 to i32
    %sign3A_311 = arith.constant 0 : i32
    %sign3A_312 = arith.cmpi slt, %add3A_8, %sign3A_311 : i32
    %sign3A_313 = arith.extui %sign3A_312 : i1 to i32
    %sign3A_314 = arith.subi %sign3A_310, %sign3A_313 : i32
    %sign3A_315 = arith.constant 0 : i32
    %sign3A_316 = arith.cmpi sgt, %jit3A_306, %sign3A_315 : i32
    %sign3A_317 = arith.extui %sign3A_316 : i1 to i32
    %sign3A_318 = arith.constant 0 : i32
    %sign3A_319 = arith.cmpi slt, %jit3A_306, %sign3A_318 : i32
    %sign3A_320 = arith.extui %sign3A_319 : i1 to i32
    %sign3A_321 = arith.subi %sign3A_317, %sign3A_320 : i32
    %ne3A_322 = arith.cmpi ne, %sign3A_314, %sign3A_321 : i32
    %rem3A_323 = arith.remsi %add3A_8, %jit3A_306 : i32
    %ne3A_324 = arith.constant 0 : i32
    %ne3A_325 = arith.cmpi ne, %rem3A_323, %ne3A_324 : i32
    %and3A_326 = arith.andi %ne3A_322, %ne3A_325 : i1
    %sub3A_327 = arith.constant 1 : i32
    %sub3A_328 = arith.subi %div3A_307, %sub3A_327 : i32
    %select_n3A_329 = arith.select %and3A_326, %sub3A_328, %div3A_307 : i32
    %mul3A_330 = arith.constant 2816 : i32
    %mul3A_331 = arith.muli %select_n3A_329, %mul3A_330 : i32
    %dma_start3A_332 = tpu.memref_slice %arg2[%mul3A_305, %mul3A_331] : memref<200x16907xf32, #tpu.memory_space<hbm>> -> memref<8x2816xf32, #tpu.memory_space<hbm>>
    %dma_start3A_333 = tpu.memref_slice %arg2[%mul3A_305, %mul3A_331] : memref<200x16907xf32, #tpu.memory_space<hbm>> -> memref<8x2816xf32, #tpu.memory_space<hbm>>
    tpu.enqueue_dma source(%dma_start3A_333 : memref<8x2816xf32, #tpu.memory_space<hbm>>) target(%arg5 : memref<8x2816xf32, #tpu.memory_space<vmem>>) target_semaphore(%arg8 : memref<!tpu.dma_semaphore, #tpu.memory_space<semaphore_mem>>)
    %dma_wait3A_334 = tpu.memref_slice %arg2[%mul3A_305, %mul3A_331] : memref<200x16907xf32, #tpu.memory_space<hbm>> -> memref<8x2816xf32, #tpu.memory_space<hbm>>
    %dma_wait3A_335 = tpu.memref_slice %arg2[%mul3A_305, %mul3A_331] : memref<200x16907xf32, #tpu.memory_space<hbm>> -> memref<8x2816xf32, #tpu.memory_space<hbm>>
    tpu.wait_dma2 semaphore(%arg8 : memref<!tpu.dma_semaphore, #tpu.memory_space<semaphore_mem>>) src(%dma_wait3A_335 : memref<8x2816xf32, #tpu.memory_space<hbm>>) dst(%arg5 : memref<8x2816xf32, #tpu.memory_space<vmem>>)
    %jit3A_336 = arith.constant 25 : i32
    %eq3A_337 = arith.constant 0 : i32
    %eq3A_338 = arith.cmpi eq, %jit3A_336, %eq3A_337 : i32
    %jit3A_339 = arith.constant 1 : i32
    %select_n3A_340 = arith.select %eq3A_338, %jit3A_339, %jit3A_336 : i32
    %rem3A_341 = arith.remsi %add3A_8, %select_n3A_340 : i32
    %ne3A_342 = arith.constant 0 : i32
    %ne3A_343 = arith.cmpi ne, %rem3A_341, %ne3A_342 : i32
    %lt3A_344 = arith.constant 0 : i32
    %lt3A_345 = arith.cmpi slt, %rem3A_341, %lt3A_344 : i32
    %lt3A_346 = arith.constant 0 : i32
    %lt3A_347 = arith.cmpi slt, %select_n3A_340, %lt3A_346 : i32
    %ne3A_348 = arith.xori %lt3A_345, %lt3A_347 : i1
    %and3A_349 = arith.andi %ne3A_348, %ne3A_343 : i1
    %add3A_350 = arith.addi %rem3A_341, %select_n3A_340 : i32
    %select_n3A_351 = arith.select %and3A_349, %add3A_350, %rem3A_341 : i32
    %mul3A_352 = arith.constant 8 : i32
    %mul3A_353 = arith.muli %select_n3A_351, %mul3A_352 : i32
    %jit3A_354 = arith.constant 25 : i32
    %div3A_355 = arith.divsi %add3A_8, %jit3A_354 : i32
    %sign3A_356 = arith.constant 0 : i32
    %sign3A_357 = arith.cmpi sgt, %add3A_8, %sign3A_356 : i32
    %sign3A_358 = arith.extui %sign3A_357 : i1 to i32
    %sign3A_359 = arith.constant 0 : i32
    %sign3A_360 = arith.cmpi slt, %add3A_8, %sign3A_359 : i32
    %sign3A_361 = arith.extui %sign3A_360 : i1 to i32
    %sign3A_362 = arith.subi %sign3A_358, %sign3A_361 : i32
    %sign3A_363 = arith.constant 0 : i32
    %sign3A_364 = arith.cmpi sgt, %jit3A_354, %sign3A_363 : i32
    %sign3A_365 = arith.extui %sign3A_364 : i1 to i32
    %sign3A_366 = arith.constant 0 : i32
    %sign3A_367 = arith.cmpi slt, %jit3A_354, %sign3A_366 : i32
    %sign3A_368 = arith.extui %sign3A_367 : i1 to i32
    %sign3A_369 = arith.subi %sign3A_365, %sign3A_368 : i32
    %ne3A_370 = arith.cmpi ne, %sign3A_362, %sign3A_369 : i32
    %rem3A_371 = arith.remsi %add3A_8, %jit3A_354 : i32
    %ne3A_372 = arith.constant 0 : i32
    %ne3A_373 = arith.cmpi ne, %rem3A_371, %ne3A_372 : i32
    %and3A_374 = arith.andi %ne3A_370, %ne3A_373 : i1
    %sub3A_375 = arith.constant 1 : i32
    %sub3A_376 = arith.subi %div3A_355, %sub3A_375 : i32
    %select_n3A_377 = arith.select %and3A_374, %sub3A_376, %div3A_355 : i32
    %mul3A_378 = arith.constant 2816 : i32
    %mul3A_379 = arith.muli %select_n3A_377, %mul3A_378 : i32
    %dma_start3A_380 = tpu.memref_slice %arg3[%mul3A_353, %mul3A_379] : memref<200x16906xf32, #tpu.memory_space<hbm>> -> memref<8x2816xf32, #tpu.memory_space<hbm>>
    %dma_start3A_381 = tpu.memref_slice %arg3[%mul3A_353, %mul3A_379] : memref<200x16906xf32, #tpu.memory_space<hbm>> -> memref<8x2816xf32, #tpu.memory_space<hbm>>
    tpu.enqueue_dma source(%arg5 : memref<8x2816xf32, #tpu.memory_space<vmem>>) target(%dma_start3A_381 : memref<8x2816xf32, #tpu.memory_space<hbm>>) target_semaphore(%arg11 : memref<!tpu.dma_semaphore, #tpu.memory_space<semaphore_mem>>)
    %convert_element_type3A_382 = arith.extui %lt3A_11 : i1 to i32
    %cond3A_383 = arith.constant 0 : i32
    %cond3A_384 = arith.cmpi ne, %convert_element_type3A_382, %cond3A_383 : i32
    scf.if %cond3A_384 {
      %jit3A_392 = arith.constant 25 : i32
      %eq3A_393 = arith.constant 0 : i32
      %eq3A_394 = arith.cmpi eq, %jit3A_392, %eq3A_393 : i32
      %jit3A_395 = arith.constant 1 : i32
      %select_n3A_396 = arith.select %eq3A_394, %jit3A_395, %jit3A_392 : i32
      %rem3A_397 = arith.remsi %add3A_10, %select_n3A_396 : i32
      %ne3A_398 = arith.constant 0 : i32
      %ne3A_399 = arith.cmpi ne, %rem3A_397, %ne3A_398 : i32
      %lt3A_400 = arith.constant 0 : i32
      %lt3A_401 = arith.cmpi slt, %rem3A_397, %lt3A_400 : i32
      %lt3A_402 = arith.constant 0 : i32
      %lt3A_403 = arith.cmpi slt, %select_n3A_396, %lt3A_402 : i32
      %ne3A_404 = arith.xori %lt3A_401, %lt3A_403 : i1
      %and3A_405 = arith.andi %ne3A_404, %ne3A_399 : i1
      %add3A_406 = arith.addi %rem3A_397, %select_n3A_396 : i32
      %select_n3A_407 = arith.select %and3A_405, %add3A_406, %rem3A_397 : i32
      %mul3A_408 = arith.constant 8 : i32
      %mul3A_409 = arith.muli %select_n3A_407, %mul3A_408 : i32
      %jit3A_410 = arith.constant 25 : i32
      %div3A_411 = arith.divsi %add3A_10, %jit3A_410 : i32
      %sign3A_412 = arith.constant 0 : i32
      %sign3A_413 = arith.cmpi sgt, %add3A_10, %sign3A_412 : i32
      %sign3A_414 = arith.extui %sign3A_413 : i1 to i32
      %sign3A_415 = arith.constant 0 : i32
      %sign3A_416 = arith.cmpi slt, %add3A_10, %sign3A_415 : i32
      %sign3A_417 = arith.extui %sign3A_416 : i1 to i32
      %sign3A_418 = arith.subi %sign3A_414, %sign3A_417 : i32
      %sign3A_419 = arith.constant 0 : i32
      %sign3A_420 = arith.cmpi sgt, %jit3A_410, %sign3A_419 : i32
      %sign3A_421 = arith.extui %sign3A_420 : i1 to i32
      %sign3A_422 = arith.constant 0 : i32
      %sign3A_423 = arith.cmpi slt, %jit3A_410, %sign3A_422 : i32
      %sign3A_424 = arith.extui %sign3A_423 : i1 to i32
      %sign3A_425 = arith.subi %sign3A_421, %sign3A_424 : i32
      %ne3A_426 = arith.cmpi ne, %sign3A_418, %sign3A_425 : i32
      %rem3A_427 = arith.remsi %add3A_10, %jit3A_410 : i32
      %ne3A_428 = arith.constant 0 : i32
      %ne3A_429 = arith.cmpi ne, %rem3A_427, %ne3A_428 : i32
      %and3A_430 = arith.andi %ne3A_426, %ne3A_429 : i1
      %sub3A_431 = arith.constant 1 : i32
      %sub3A_432 = arith.subi %div3A_411, %sub3A_431 : i32
      %select_n3A_433 = arith.select %and3A_430, %sub3A_432, %div3A_411 : i32
      %mul3A_434 = arith.constant 2816 : i32
      %mul3A_435 = arith.muli %select_n3A_433, %mul3A_434 : i32
      %dma_wait3A_436 = tpu.memref_slice %arg2[%mul3A_409, %mul3A_435] : memref<200x16907xf32, #tpu.memory_space<hbm>> -> memref<8x2816xf32, #tpu.memory_space<hbm>>
      %dma_wait3A_437 = tpu.memref_slice %arg2[%mul3A_409, %mul3A_435] : memref<200x16907xf32, #tpu.memory_space<hbm>> -> memref<8x2816xf32, #tpu.memory_space<hbm>>
      tpu.wait_dma2 semaphore(%arg9 : memref<!tpu.dma_semaphore, #tpu.memory_space<semaphore_mem>>) src(%dma_wait3A_437 : memref<8x2816xf32, #tpu.memory_space<hbm>>) dst(%arg6 : memref<8x2816xf32, #tpu.memory_space<vmem>>)
      %jit3A_438 = arith.constant 25 : i32
      %eq3A_439 = arith.constant 0 : i32
      %eq3A_440 = arith.cmpi eq, %jit3A_438, %eq3A_439 : i32
      %jit3A_441 = arith.constant 1 : i32
      %select_n3A_442 = arith.select %eq3A_440, %jit3A_441, %jit3A_438 : i32
      %rem3A_443 = arith.remsi %add3A_10, %select_n3A_442 : i32
      %ne3A_444 = arith.constant 0 : i32
      %ne3A_445 = arith.cmpi ne, %rem3A_443, %ne3A_444 : i32
      %lt3A_446 = arith.constant 0 : i32
      %lt3A_447 = arith.cmpi slt, %rem3A_443, %lt3A_446 : i32
      %lt3A_448 = arith.constant 0 : i32
      %lt3A_449 = arith.cmpi slt, %select_n3A_442, %lt3A_448 : i32
      %ne3A_450 = arith.xori %lt3A_447, %lt3A_449 : i1
      %and3A_451 = arith.andi %ne3A_450, %ne3A_445 : i1
      %add3A_452 = arith.addi %rem3A_443, %select_n3A_442 : i32
      %select_n3A_453 = arith.select %and3A_451, %add3A_452, %rem3A_443 : i32
      %mul3A_454 = arith.constant 8 : i32
      %mul3A_455 = arith.muli %select_n3A_453, %mul3A_454 : i32
      %jit3A_456 = arith.constant 25 : i32
      %div3A_457 = arith.divsi %add3A_10, %jit3A_456 : i32
      %sign3A_458 = arith.constant 0 : i32
      %sign3A_459 = arith.cmpi sgt, %add3A_10, %sign3A_458 : i32
      %sign3A_460 = arith.extui %sign3A_459 : i1 to i32
      %sign3A_461 = arith.constant 0 : i32
      %sign3A_462 = arith.cmpi slt, %add3A_10, %sign3A_461 : i32
      %sign3A_463 = arith.extui %sign3A_462 : i1 to i32
      %sign3A_464 = arith.subi %sign3A_460, %sign3A_463 : i32
      %sign3A_465 = arith.constant 0 : i32
      %sign3A_466 = arith.cmpi sgt, %jit3A_456, %sign3A_465 : i32
      %sign3A_467 = arith.extui %sign3A_466 : i1 to i32
      %sign3A_468 = arith.constant 0 : i32
      %sign3A_469 = arith.cmpi slt, %jit3A_456, %sign3A_468 : i32
      %sign3A_470 = arith.extui %sign3A_469 : i1 to i32
      %sign3A_471 = arith.subi %sign3A_467, %sign3A_470 : i32
      %ne3A_472 = arith.cmpi ne, %sign3A_464, %sign3A_471 : i32
      %rem3A_473 = arith.remsi %add3A_10, %jit3A_456 : i32
      %ne3A_474 = arith.constant 0 : i32
      %ne3A_475 = arith.cmpi ne, %rem3A_473, %ne3A_474 : i32
      %and3A_476 = arith.andi %ne3A_472, %ne3A_475 : i1
      %sub3A_477 = arith.constant 1 : i32
      %sub3A_478 = arith.subi %div3A_457, %sub3A_477 : i32
      %select_n3A_479 = arith.select %and3A_476, %sub3A_478, %div3A_457 : i32
      %mul3A_480 = arith.constant 2816 : i32
      %mul3A_481 = arith.muli %select_n3A_479, %mul3A_480 : i32
      %dma_start3A_482 = tpu.memref_slice %arg3[%mul3A_455, %mul3A_481] : memref<200x16906xf32, #tpu.memory_space<hbm>> -> memref<8x2816xf32, #tpu.memory_space<hbm>>
      %dma_start3A_483 = tpu.memref_slice %arg3[%mul3A_455, %mul3A_481] : memref<200x16906xf32, #tpu.memory_space<hbm>> -> memref<8x2816xf32, #tpu.memory_space<hbm>>
      tpu.enqueue_dma source(%arg6 : memref<8x2816xf32, #tpu.memory_space<vmem>>) target(%dma_start3A_483 : memref<8x2816xf32, #tpu.memory_space<hbm>>) target_semaphore(%arg12 : memref<!tpu.dma_semaphore, #tpu.memory_space<semaphore_mem>>)
    } else {
    }
    %dma_wait3A_385 = tpu.memref_slice %arg3[%mul3A_257, %mul3A_283] : memref<200x16906xf32, #tpu.memory_space<hbm>> -> memref<8x2816xf32, #tpu.memory_space<hbm>>
    %dma_wait3A_386 = tpu.memref_slice %arg3[%mul3A_257, %mul3A_283] : memref<200x16906xf32, #tpu.memory_space<hbm>> -> memref<8x2816xf32, #tpu.memory_space<hbm>>
    tpu.wait_dma2 semaphore(%arg10 : memref<!tpu.dma_semaphore, #tpu.memory_space<semaphore_mem>>) src(%arg4 : memref<8x2816xf32, #tpu.memory_space<vmem>>) dst(%dma_wait3A_386 : memref<8x2816xf32, #tpu.memory_space<hbm>>)
    %dma_wait3A_387 = tpu.memref_slice %arg3[%mul3A_353, %mul3A_379] : memref<200x16906xf32, #tpu.memory_space<hbm>> -> memref<8x2816xf32, #tpu.memory_space<hbm>>
    %dma_wait3A_388 = tpu.memref_slice %arg3[%mul3A_353, %mul3A_379] : memref<200x16906xf32, #tpu.memory_space<hbm>> -> memref<8x2816xf32, #tpu.memory_space<hbm>>
    tpu.wait_dma2 semaphore(%arg11 : memref<!tpu.dma_semaphore, #tpu.memory_space<semaphore_mem>>) src(%arg5 : memref<8x2816xf32, #tpu.memory_space<vmem>>) dst(%dma_wait3A_388 : memref<8x2816xf32, #tpu.memory_space<hbm>>)
    %convert_element_type3A_389 = arith.extui %lt3A_11 : i1 to i32
    %cond3A_390 = arith.constant 0 : i32
    %cond3A_391 = arith.cmpi ne, %convert_element_type3A_389, %cond3A_390 : i32
    scf.if %cond3A_391 {
      %jit3A_392 = arith.constant 25 : i32
      %eq3A_393 = arith.constant 0 : i32
      %eq3A_394 = arith.cmpi eq, %jit3A_392, %eq3A_393 : i32
      %jit3A_395 = arith.constant 1 : i32
      %select_n3A_396 = arith.select %eq3A_394, %jit3A_395, %jit3A_392 : i32
      %rem3A_397 = arith.remsi %add3A_10, %select_n3A_396 : i32
      %ne3A_398 = arith.constant 0 : i32
      %ne3A_399 = arith.cmpi ne, %rem3A_397, %ne3A_398 : i32
      %lt3A_400 = arith.constant 0 : i32
      %lt3A_401 = arith.cmpi slt, %rem3A_397, %lt3A_400 : i32
      %lt3A_402 = arith.constant 0 : i32
      %lt3A_403 = arith.cmpi slt, %select_n3A_396, %lt3A_402 : i32
      %ne3A_404 = arith.xori %lt3A_401, %lt3A_403 : i1
      %and3A_405 = arith.andi %ne3A_404, %ne3A_399 : i1
      %add3A_406 = arith.addi %rem3A_397, %select_n3A_396 : i32
      %select_n3A_407 = arith.select %and3A_405, %add3A_406, %rem3A_397 : i32
      %mul3A_408 = arith.constant 8 : i32
      %mul3A_409 = arith.muli %select_n3A_407, %mul3A_408 : i32
      %jit3A_410 = arith.constant 25 : i32
      %div3A_411 = arith.divsi %add3A_10, %jit3A_410 : i32
      %sign3A_412 = arith.constant 0 : i32
      %sign3A_413 = arith.cmpi sgt, %add3A_10, %sign3A_412 : i32
      %sign3A_414 = arith.extui %sign3A_413 : i1 to i32
      %sign3A_415 = arith.constant 0 : i32
      %sign3A_416 = arith.cmpi slt, %add3A_10, %sign3A_415 : i32
      %sign3A_417 = arith.extui %sign3A_416 : i1 to i32
      %sign3A_418 = arith.subi %sign3A_414, %sign3A_417 : i32
      %sign3A_419 = arith.constant 0 : i32
      %sign3A_420 = arith.cmpi sgt, %jit3A_410, %sign3A_419 : i32
      %sign3A_421 = arith.extui %sign3A_420 : i1 to i32
      %sign3A_422 = arith.constant 0 : i32
      %sign3A_423 = arith.cmpi slt, %jit3A_410, %sign3A_422 : i32
      %sign3A_424 = arith.extui %sign3A_423 : i1 to i32
      %sign3A_425 = arith.subi %sign3A_421, %sign3A_424 : i32
      %ne3A_426 = arith.cmpi ne, %sign3A_418, %sign3A_425 : i32
      %rem3A_427 = arith.remsi %add3A_10, %jit3A_410 : i32
      %ne3A_428 = arith.constant 0 : i32
      %ne3A_429 = arith.cmpi ne, %rem3A_427, %ne3A_428 : i32
      %and3A_430 = arith.andi %ne3A_426, %ne3A_429 : i1
      %sub3A_431 = arith.constant 1 : i32
      %sub3A_432 = arith.subi %div3A_411, %sub3A_431 : i32
      %select_n3A_433 = arith.select %and3A_430, %sub3A_432, %div3A_411 : i32
      %mul3A_434 = arith.constant 2816 : i32
      %mul3A_435 = arith.muli %select_n3A_433, %mul3A_434 : i32
      %dma_wait3A_436 = tpu.memref_slice %arg3[%mul3A_409, %mul3A_435] : memref<200x16906xf32, #tpu.memory_space<hbm>> -> memref<8x2816xf32, #tpu.memory_space<hbm>>
      %dma_wait3A_437 = tpu.memref_slice %arg3[%mul3A_409, %mul3A_435] : memref<200x16906xf32, #tpu.memory_space<hbm>> -> memref<8x2816xf32, #tpu.memory_space<hbm>>
      tpu.wait_dma2 semaphore(%arg12 : memref<!tpu.dma_semaphore, #tpu.memory_space<semaphore_mem>>) src(%arg6 : memref<8x2816xf32, #tpu.memory_space<vmem>>) dst(%dma_wait3A_437 : memref<8x2816xf32, #tpu.memory_space<hbm>>)
    } else {
    }
    return
  }
}

module attributes {stable_mosaic.version = 14 : i64} {
  func.func @_tc_tail_body(%arg0: i32, %arg1: memref<8x128xf32, #tpu.memory_space<vmem>>, %arg2: memref<200x128xf32, #tpu.memory_space<vmem>>, %arg3: memref<200x128xf32, #tpu.memory_space<vmem>>) attributes {dimension_semantics = [#tpu.dimension_semantics<arbitrary>], iteration_bounds = array<i64: 1>, scalar_prefetch = 0 : i64, scratch_operands = 0 : i64, tpu.core_type = #tpu.core_type<tc>, window_params = [{transform_indices = @transform_0, window_bounds = array<i64: 8, 128>}, {transform_indices = @transform_1, window_bounds = array<i64: 200, 128>}, {transform_indices = @transform_2, window_bounds = array<i64: 200, 128>}]} {
    %get3A = arith.constant 0 : index
    %get3A_0 = arith.constant 0 : index
    %get3A_1 = vector.load %arg2[%get3A, %get3A_0] : memref<200x128xf32, #tpu.memory_space<vmem>>, vector<200x128xf32>
    %swap3A = arith.constant 0 : index
    %swap3A_2 = arith.constant 0 : index
    %swap3A_3 = vector.load %arg3[%swap3A, %swap3A_2] : memref<200x128xf32, #tpu.memory_space<vmem>>, vector<200x128xf32>
    tpu.vector_store %arg3[%swap3A, %swap3A_2], %get3A_1 {strides = array<i32>} : memref<200x128xf32, #tpu.memory_space<vmem>>, vector<200x128xf32>,
    return
  }
  func.func @transform_0(%arg0: i32) -> (i32, i32) {
    %c0_i32 = arith.constant 0 : i32
    %c132_i32 = arith.constant 132 : i32
    %c0_i32_0 = arith.constant 0 : i32
    return %c0_i32, %c132_i32 : i32, i32
  }
  func.func @transform_1(%arg0: i32) -> (i32, i32) {
    %c0_i32 = arith.constant 0 : i32
    %c132_i32 = arith.constant 132 : i32
    %c0_i32_0 = arith.constant 0 : i32
    return %c0_i32, %c132_i32 : i32, i32
  }
  func.func @transform_2(%arg0: i32) -> (i32, i32) {
    %c0_i32 = arith.constant 0 : i32
    %c132_i32 = arith.constant 132 : i32
    %c0_i32_0 = arith.constant 0 : i32
    return %c0_i32, %c132_i32 : i32, i32
  }
}

</mosaic_0001>

<sc_bundles>
// kernel: kernel.4.cloned.1.call-start
scs
__scs_entry_jumppad:
0x0: {  	(pc) =	sbr.rel $0x88, $3  }
0x1: {  	(tag) =	ssettag $0x0;
	lr =	simm.s32 $0x1  }
0x2: {  	[smem:$0x3FA0] =	sst lr;
	_ =	strace $0xD0000000  }
0x3: {  	_ = 	snop  }
0x4: {  	_ = 	snop  }
0x5: {  	_ = 	snop  }
0x6: {  	_ = 	snop  }
0x7: {  	_ = 	snop  }
__scs_overlays_trampoline_lowered:
0x8: {  	[smem:$0x3FAF] =	sst s0  }
0x9: {  	[smem:$0x3FB0] =	sst s1  }
0xa: {  	[smem:$0x3FB1] =	sst s2  }
0xb: {  	[smem:$0x3FB2] =	sst s3  }
0xc: {  	[smem:$0x3FB3] =	sst s4  }
0xd: {  	[smem:$0x3FB4] =	sst s5  }
0xe: {  	[smem:$0x3FB5] =	sst s6  }
0xf: {  	[smem:$0x3FB6] =	sst s7  }
0x10: {  	[smem:$0x3FB7] =	sst s8  }
0x11: {  	[smem:$0x3FB8] =	sst s9;
	s0 =	simm.s32 @!p0 $0x0  }
0x12: {  	s1 =	sld [smem:$0x3F9E];
	s0 =	simm.s32 @p0 $0x1  }
0x13: {  	[smem:$0x3FB9] =	sst s0;
	s0 =	simm.s32 @!p1 $0x0  }
0x14: {  	s2 =	sld [smem:$0x3F9D];
	s0 =	simm.s32 @p1 $0x1  }
0x15: {  	[smem:$0x3FBA] =	sst s0;
	s0 =	simm.s32 @!p2 $0x0  }
0x16: {  	s3 =	sld [smem:$0x3FDB];
	s0 =	simm.s32 @p2 $0x1  }
0x17: {  	s4 =	simm.s32 $0x1BF5;
	[smem:$0x3FBC] =	sst s0  }
0x18: {  	s0 =	sld [smem:$0x3F9F];
	_ =	swait.ge [sflag:s4], $0x0  }
0x19: {  	s7 =	sld [smem:$0x3FA0]  }
0x1a: {  	s8 =	sadd.s32 $0xFFFFE003, lr  }
0x1b: {  	s9 =	sadd.s32 $0xFFFFFEF7, lr;
	s5 =	simm.s32 $0xFFFFFFFF;
	p2 =	slt.u32 s8, $0xFFFFF086  }
0x1c: {  	p1 =	slt.u32 s9, $0xF7A;
	s5 =	simm.s32 @!p2 $0x0  }
0x1d: {  	s5 =	simm.s32 @p1 $0x1;
	p0 =	seq.s32 s7, s2  }
0x1e: {  	s7 =	smul.u32 @!p0 $0xF7A, s2;
	p2 =	seq.s32 @!p0 s5, $0x0  }
0x1f: {  	s9 =	smul.u32 $0xF7A, s1;
	s8 =	simm.s32 @!p0 $0x1BF5;
	p2 =	por !p2, p0  }
0x20: {  	[sflag:s8] =	ssyncset.s32 @!p0 $0xFFFFF086;
	s6 =	sadd.s32 @!p0 s3, s7;
	s7 =	simm.s32 @!p0 $0x108  }
0x21: {  	s3 =	sadd.s32 s3, s9;
	s6 =	sadd.s32 @!p0 $0x88, s6;
	s7 =	simm.s32 @p2 $0x1082  }
0x22: {  	[simem:s7], [sflag:s8] =	dma.local @!p0 [hbm:s6], $0xF7A  }
0x23: {  	s9 =	sor.u32 $0xD0000000, s2;
	s6 =	simm.s32 $0x108;
	_ =	swait.ge @!p0 [sflag:s8], $0x0  }
0x24: {  	s3 =	sadd.s32 $0x88, s3;
	s6 =	simm.s32 @!p1 $0x1082;
	[sflag:s4] =	ssyncset.s32 $0xFFFFF086  }
0x25: {  	[simem:s6], [sflag:s4] =	dma.local [hbm:s3], $0xF7A  }
0x26: {  	[smem:$0x3FA0] =	sst s1;
	(tag) =	ssettag s2;
	_ =	strace s9  }
0x27: {  	s1 =	sld [smem:$0x3FB0]  }
0x28: {  	s2 =	sld [smem:$0x3FB1]  }
0x29: {  	s4 =	sld [smem:$0x3FB3]  }
0x2a: {  	p0 =	seq.s32 s5, $0x0;
	s5 =	sld [smem:$0x3FB4]  }
0x2b: {  	s6 =	sld [smem:$0x3FB5]  }
0x2c: {  	s7 =	sld [smem:$0x3FB6]  }
0x2d: {  	s3 =	simm.s32 $0x108;
	s8 =	sld [smem:$0x3FB7]  }
0x2e: {  	s3 =	simm.s32 @!p0 $0x1082;
	s9 =	sld [smem:$0x3FB8]  }
0x2f: {  	lr =	sadd.s32 s0, s3;
	s0 =	sld [smem:$0x3FAF]  }
0x30: {  	s3 =	sld [smem:$0x3FB2]  }
0x31: {  	[smem:$0x3FBB] =	sst s10  }
0x32: {  	s10 =	sld [smem:$0x3FB9];
	_ =	sdelay $0x3  }
0x33: {  	p0 =	seq.s32 s10, $0x1;
	s10 =	sld [smem:$0x3FBB];
	_ =	sdelay $0x3  }
0x34: {  	[smem:$0x3FBB] =	sst s10  }
0x35: {  	s10 =	sld [smem:$0x3FBA];
	_ =	sdelay $0x3  }
0x36: {  	p1 =	seq.s32 s10, $0x1;
	s10 =	sld [smem:$0x3FBB];
	_ =	sdelay $0x3  }
0x37: {  	[smem:$0x3FBB] =	sst s10  }
0x38: {  	s10 =	sld [smem:$0x3FBC]  }
0x39: {  	_ = 	snop;
	(pc) =	sbr.ind lr, $3  }
0x3a: {  	_ = 	snop  }
0x3b: {  	_ = 	snop  }
0x3c: {  	p2 =	seq.s32 s10, $0x1;
	s10 =	sld [smem:$0x3FBB]  }
0x3d: {  	_ =	shalt  }
0x3e: {  	_ =	shalt  }
0x3f: {  	_ =	shalt  }
0x40: {  	_ =	shalt  }
0x41: {  	_ =	shalt  }
0x42: {  	_ =	shalt  }
0x43: {  	_ =	shalt  }
0x44: {  	_ =	shalt  }
0x45: {  	_ =	shalt  }
0x46: {  	_ =	shalt  }
0x47: {  	_ =	shalt  }
0x48: {  	_ =	shalt  }
0x49: {  	_ =	shalt  }
0x4a: {  	_ =	shalt  }
0x4b: {  	_ =	shalt  }
0x4c: {  	_ =	shalt  }
0x4d: {  	_ =	shalt  }
0x4e: {  	_ =	shalt  }
0x4f: {  	_ =	shalt  }
0x50: {  	_ =	shalt  }
0x51: {  	_ =	shalt  }
0x52: {  	_ =	shalt  }
0x53: {  	_ =	shalt  }
0x54: {  	_ =	shalt  }
0x55: {  	_ =	shalt  }
0x56: {  	_ =	shalt  }
0x57: {  	_ =	shalt  }
0x58: {  	_ =	shalt  }
0x59: {  	_ =	shalt  }
0x5a: {  	_ =	shalt  }
0x5b: {  	_ =	shalt  }
0x5c: {  	_ =	shalt  }
0x5d: {  	_ =	shalt  }
0x5e: {  	_ =	shalt  }
0x5f: {  	_ =	shalt  }
0x60: {  	_ =	shalt  }
0x61: {  	_ =	shalt  }
0x62: {  	_ =	shalt  }
0x63: {  	_ =	shalt  }
0x64: {  	_ =	shalt  }
0x65: {  	_ =	shalt  }
0x66: {  	_ =	shalt  }
0x67: {  	_ =	shalt  }
0x68: {  	_ =	shalt  }
0x69: {  	_ =	shalt  }
0x6a: {  	_ =	shalt  }
0x6b: {  	_ =	shalt  }
0x6c: {  	_ =	shalt  }
0x6d: {  	_ =	shalt  }
0x6e: {  	_ =	shalt  }
0x6f: {  	_ =	shalt  }
0x70: {  	_ =	shalt  }
0x71: {  	_ =	shalt  }
0x72: {  	_ =	shalt  }
0x73: {  	_ =	shalt  }
0x74: {  	_ =	shalt  }
0x75: {  	_ =	shalt  }
0x76: {  	_ =	shalt  }
0x77: {  	_ =	shalt  }
0x78: {  	_ =	shalt  }
0x79: {  	_ =	shalt  }
0x7a: {  	_ =	shalt  }
0x7b: {  	_ =	shalt  }
0x7c: {  	_ =	shalt  }
0x7d: {  	_ =	shalt  }
0x7e: {  	_ =	shalt  }
0x7f: {  	_ =	shalt  }
0x80: {  	_ =	shalt  }
0x81: {  	_ =	shalt  }
0x82: {  	_ =	shalt  }
0x83: {  	_ =	shalt  }
0x84: {  	_ =	shalt  }
0x85: {  	_ =	shalt  }
0x86: {  	_ =	shalt  }
0x87: {  	_ =	shalt  }
.Lfunc_end0:
.L_simem_size_0:
called_computation_lowered:
.L_overlay_start_0:
0x88: {  	s2 =	sld [smem:$0x3FD9]  }
0x89: {  	s3 =	sld [smem:$0x3FFE];
	_ =	sdelay $0x1  }
0x8a: {  	s1 =	srdreg.scid  }
0x8b: {  	s0 =	sand.u32 $0x1, s1  }
0x8c: {  	s18 =	sshll.u32 s0, $0xA;
	s2 =	sadd.s32 s3, s2  }
0x8d: {  	s2 =	sadd.s32 s2, s18  }
0x8e: {  	[smem:$0x3FC7] =	sst s2  }
0x8f: {  	_ = 	snop  }
0x90: {  	s2 =	sld [smem:$0x3FC9]  }
0x91: {  	s19 =	sld [smem:$0x3FD0];
	(tm) =	ssettm $0x1  }
0x92: {  	s4 =	sld [smem:$0x3FFB];
	_ =	sdelay $0x3  }
0x93: {  	_ =	strace s4  }
0x94: {  	s4 =	sld [smem:$0x3FFC];
	_ =	sdelay $0x3  }
0x95: {  	_ =	strace s4  }
0x96: {  	s4 =	sld [smem:$0x3FFD];
	_ =	sdelay $0x3  }
0x97: {  	_ =	strace s4  }
0x98: {  	_ =	strace $0x8FFFFFFF  }
0x99: {  	s20 =	sld [smem:$0x3FDB];
	_ =	sdelay $0x1  }
0x9a: {  	s5 =	simm.s32 $_scs_section_size  }
0x9b: {  	s6 =	simm.s32 $_size__tile_overlayer_lowered;
	s7 =	simm.s32 $_tile_overlayer_lowered  }
0x9c: {  	s23 =	simm.s32 $0x1BFF;
	s22 =	sshll.u32 s7, $0x1;
	s4 =	sadd.s32 s5, s20  }
0x9d: {  	s8 =	simm.s32 $0x0;
	s21 =	sshll.u32 s6, $0x1;
	s6 =	sadd.s32 s22, s4  }
0x9e: {  	[timem:s8], [sflag:s23] =	dma.local [hbm:s6], s21  }
0x9f: {  	_ =	swait.ge [sflag:s23], s21  }
0xa0: {  	s5 =	ssub.s32 $0x0, s21;
	[sflag:s23] =	ssyncset.done $0x0  }
0xa1: {  	[sflag:s23] =	ssyncadd.s32 s5;
	_ =	sdelay $0x1  }
0xa2: {  	s24 =	simm.s32 $0x1B8B  }
0xa3: {  	_ =	swait.ge [sflag:s24], $0x1  }
0xa4: {  	[sflag:s24] =	ssyncset.done $0x0  }
0xa5: {  	s25 =	simm.s32 $0x1B8E;
	[sflag:s24] =	ssyncadd.s32 $0xFFFFFFFF  }
0xa6: {  	s26 =	simm.s32 $execute0_lowered;
	[smem:$0x3FD2] =	sst s25  }
0xa7: {  	s5 =	sshll.u32 s26, $0x1;
	_ =	strace $0x80000046;
	[dreg:$0x1] =	wrdreg $0xFFFFFFFF  }
0xa8: {  	s28 =	simm.s32 $_size_execute0_lowered;
	s4 =	sadd.s32 s4, s5;
	[dreg:$0x0] =	wrdreg $0x0  }
0xa9: {  	s5 =	sshll.u32 s28, $0x1;
	[dreg:$0x2] =	wrdreg s4  }
0xaa: {  	[dreg:$0x3] =	wrdreg s5  }
0xab: {  	[dreg:$0x4] =	wrdreg $0xC0  }
0xac: {  	_ =	task [dreg:s8], $0x5FFFF  }
0xad: {  	[dreg:$0x1] =	wrdreg $0xFFFFFFFF  }
0xae: {  	[dreg:$0x0] =	wrdreg $0x60  }
0xaf: {  	[dreg:$0x2] =	wrdreg s2  }
0xb0: {  	[dreg:$0x3] =	wrdreg s19  }
0xb1: {  	[dreg:$0x4] =	wrdreg $0x9  }
0xb2: {  	_ =	task.clear_ibuf [dreg:s8], $0x5FFFF;
	_ =	strace $0x90000046  }
0xb3: {  	s29 =	simm.s32 $0x9;
	_ =	strace $0x80000048  }
0xb4: {  	_ =	swait.ge [sflag:s29], $0x1  }
0xb5: {  	[sflag:s29] =	ssyncadd.s32 $0xFFFFFFFF  }
0xb6: {  	_ =	strace $0x90000048  }
0xb7: {  	_ =	sfence  }
0xb8: {  	s30 =	sld [smem:$0x0];
	_ =	sdelay $0x2  }
0xb9: {  	s31 =	sshll.u32 s1, $0xD;
	s1 =	sshrl.u32 s1, $0x2  }
0xba: {  	s3 =	sand.u32 $0x4000, s31;
	s1 =	sadd.s32 s1, s30  }
0xbb: {  	s0 =	sor.u32 s3, s0;
	s1 =	sshll.u32 s1, $0x11  }
0xbc: {  	s0 =	sor.u32 s1, s0  }
0xbd: {  	s0 =	sadd.s32 $0x8F2B, s0  }
0xbe: {  	[sflag:s0] =	ssyncadd.remote.s32 $0x1  }
0xbf: {  	_ =	sfence.sel $0xFFFF  }
0xc0: {  	[dreg:$0x0] =	wrdreg $0xFFFFFFFF;
	(pc) =	sbr.abs _section_cstart, $3  }
0xc1: {  	[dreg:$0x1] =	wrdreg $0xFFFFFFFF  }
0xc2: {  	_ =	task.clear_ibuf [dreg:s8], $0x2FFFF;
	_ =	strace $0x9FFFFFFF  }
0xc3: {  	(tm) =	ssettm $0x7FFFFFFF  }
tec
execute0_lowered:
.L_overlay_start_1:
0x0: {  	(tag) =	ssettag $0x1  }
0x1: {  	s1 =	srdreg.scid;
	s0 =	stileid.u32  }
0x2: {  	s3 =	sand.u32 $0x1, s1;
	s16 =	sshll.u32 s0, $0x1  }
0x3: {  	s4 =	rddreg [dreg:$0x0];
	s6 =	sor.u32 s3, s16  }
0x4: {  	s9 =	rddreg [dreg:$0x1];
	p1 =	por $0x0, $0x0;
	s5 =	sor.u32 $0xFFFFFF80, s6  }
0x5: {  	s1 =	rddreg [dreg:$0x2];
	s8 =	sor.u32 $0x20, s6;
	s17 =	sand.u32 $0xFF, s5  }
0x6: {  	s11 =	sor.u32 $0x40, s6;
	s10 =	sand.u32 $0xFF, s8;
	s2 =	smul.u32 $0x29, s17  }
0x7: {  	s12 =	sadd.s32 $0xFFFFFFE7, s6;
	s14 =	sand.u32 $0xFF, s11;
	s18 =	smul.u32 $0x29, s10  }
0x8: {  	s15 =	sor.u32 $0x60, s6;
	s12 =	smin.u32 s6, s12;
	s14 =	smul.u32 $0x29, s14  }
0x9: {  	s3 =	ssub.s32 $0x2, s3;
	s21 =	sand.u32 $0xFF, s15;
	s20 =	smul.u32 $0x21400, s12  }
0xa: {  	s19 =	sshrl.u32 s3, $0x1;
	s12 =	smul.u32 $0x29, s21;
	s7 =	sshrl.u32 s2, $0xA  }
0xb: {  	p0 =	sgt.u32 s6, $0x18;
	s22 =	sshrl.u32 s14, $0xA;
	s7 =	smul.u32 $0x19, s7  }
0xc: {  	s10 =	ssub.s32 s3, s19;
	s12 =	sshrl.u32 s12, $0xA;
	s14 =	smul.u32 $0x19, s22  }
0xd: {  	s31 =	smax.u32 s10, $0x1;
	s2 =	simm.s32 $0x0;
	s23 =	smul.u32 $0x19, s12  }
0xe: {  	s10 =	simm.s32 $0x2;
	[smem:$0x7FF] =	sst s2;
	s12 =	smul.u32 $0x5800, s12  }
0xf: {  	s5 =	ssub.s32 s5, s7;
	s7 =	sshrl.u32 s18, $0xA;
	s18 =	smul.u32 $0x5800, s22  }
0x10: {  	_ =	strace $0x80000047;
	s11 =	ssub.s32 s11, s14;
	s13 =	smul.u32 $0x19, s7  }
0x11: {  	s14 =	ssub.s32 s15, s23;
	s5 =	sand.u32 $0xFF, s5;
	s24 =	smul.u32 $0x5800, s7  }
0x12: {  	s25 =	sand.u32 $0xFF, s11;
	s11 =	simm.s32 $0x5800;
	s5 =	smul.u32 $0x21400, s5  }
0x13: {  	s26 =	sand.u32 $0xFF, s14;
	s14 =	simm.s32 $0x1;
	s7 =	smul.u32 $0x21400, s25  }
0x14: {  	s11 =	simm.s32 @!p0 $0x0;
	s28 =	smul.u32 $0x21400, s26;
	s8 =	ssub.s32 s8, s13  }
0x15: {  	p0 =	sgt.u32 s0, $0xA;
	s3 =	sadd.s32 s11, s20;
	s8 =	sand.u32 $0xFF, s8  }
0x16: {  	s5 =	sshrl.u32 s5, $0x3;
	s11 =	sshrl.u32 s3, $0x3;
	s8 =	smul.u32 $0x21400, s8  }
0x17: {  	s3 =	simm.s32 $0x5800;
	s7 =	sadd.s32 s18, s7;
	s18 =	simm.s32 $0x4  }
0x18: {  	s17 =	sadd.s32 $0x3700, s5;
	s6 =	sadd.s32 s24, s8;
	s24 =	sadd.s32 $0xFFFFFFFF, s31  }
0x19: {  	s15 =	sadd.s32 s4, s11;
	s13 =	sadd.s32 s9, s11;
	p2 =	sne.s32 s24, $0x0  }
.Ltmp0:
0x1a: {  	s29 =	sshrl.u32 s7, $0x3;
	s5 =	sadd.s32 s4, s17;
	(pc) =	sbr.rel @!p2 .LBB2_1-.Ltmp0, $4  }
0x1b: {  	s11 =	sadd.s32 s4, s29;
	s8 =	sadd.s32 s12, s28;
	s6 =	sshrl.u32 s6, $0x3  }
0x1c: {  	s30 =	sshrl.u32 s8, $0x3;
	s8 =	sadd.s32 s9, s29;
	s16 =	sadd.s32 s4, s6  }
0x1d: {  	s12 =	sadd.s32 s9, s6;
	s7 =	sadd.s32 s4, s30;
	s6 =	sadd.s32 s9, s30  }
0x1e: {  	s4 =	sadd.s32 s9, s17;
	s17 =	simm.s32 $0x5;
	s9 =	simm.s32 @!p0 $0x0  }
0x1f: {  	s19 =	simm.s32 @!p0 $0xB000  }
0x20: {  	[tilespmem:s19], [sflag:$0x3] =	stream.linear.gather @!p0 [hbm4b:s5+s9], $0x5800, $0x38;
	[tilespmem:$0x10800] =	vst v63  }
0x21: {  	_ = 	snop  }
0x22: {  	[tilespmem:s2], [sflag:$0x1] =	stream.linear.gather [hbm4b:s15+s2], $0x5800, $0x38;
	[tilespmem:$0x10800] =	vst v63  }
0x23: {  	_ = 	snop  }
0x24: {  	[tilespmem:s3], [sflag:$0x2] =	stream.linear.gather [hbm4b:s16+s2], $0x5800, $0x38;
	[tilespmem:$0x10800] =	vst v63  }
0x25: {  	_ =	swait.ge [sflag:s14], $0x5800  }
0x26: {  	[sflag:s14] =	ssyncset.done $0x0  }
0x27: {  	[sflag:s14] =	ssyncadd.s32 $0xFFFFA800  }
0x28: {  	[hbm4b:s13+s2] =	stream.linear.scatter [tilespmem:s2], [sflag:$0x4], $0x5800, $0x38;
	[tilespmem:$0x10800] =	vst v63  }
0x29: {  	_ =	swait.ge [sflag:s10], $0x5800  }
0x2a: {  	[sflag:s10] =	ssyncset.done $0x0  }
0x2b: {  	[sflag:s10] =	ssyncadd.s32 $0xFFFFA800  }
0x2c: {  	[hbm4b:s12+s2] =	stream.linear.scatter [tilespmem:s3], [sflag:$0x5], $0x5800, $0x38;
	[tilespmem:$0x10800] =	vst v63  }
0x2d: {  	_ =	swait.ge [sflag:s18], $0x5800  }
0x2e: {  	[sflag:s18] =	ssyncset.done $0x0  }
0x2f: {  	[sflag:s18] =	ssyncadd.s32 $0xFFFFA800  }
0x30: {  	[tilespmem:s2], [sflag:$0x1] =	stream.linear.gather [hbm4b:s11+s2], $0x5800, $0x38;
	[tilespmem:$0x10800] =	vst v63  }
0x31: {  	_ =	swait.ge [sflag:s14], $0x5800  }
0x32: {  	[sflag:s14] =	ssyncset.done $0x0  }
0x33: {  	[sflag:s14] =	ssyncadd.s32 $0xFFFFA800  }
0x34: {  	[hbm4b:s8+s2] =	stream.linear.scatter [tilespmem:s2], [sflag:$0x4], $0x5800, $0x38;
	[tilespmem:$0x10800] =	vst v63  }
0x35: {  	_ =	swait.ge [sflag:s17], $0x5800  }
0x36: {  	[sflag:s17] =	ssyncset.done $0x0  }
0x37: {  	[sflag:s17] =	ssyncadd.s32 $0xFFFFA800  }
0x38: {  	[tilespmem:s3], [sflag:$0x2] =	stream.linear.gather [hbm4b:s7+s2], $0x5800, $0x38;
	[tilespmem:$0x10800] =	vst v63  }
0x39: {  	_ =	swait.ge [sflag:s10], $0x5800  }
0x3a: {  	[sflag:s10] =	ssyncset.done $0x0  }
0x3b: {  	s20 =	simm.s32 @!p0 $0x3;
	[sflag:s10] =	ssyncadd.s32 $0xFFFFA800  }
0x3c: {  	[hbm4b:s6+s2] =	stream.linear.scatter [tilespmem:s3], [sflag:$0x5], $0x5800, $0x38;
	[tilespmem:$0x10800] =	vst v63  }
0x3d: {  	_ =	swait.ge @!p0 [sflag:s20], $0x5800  }
0x3e: {  	[sflag:s20] =	ssyncset.done @!p0 $0x0  }
0x3f: {  	s21 =	simm.s32 @!p0 $0x4;
	[sflag:s20] =	ssyncadd.s32 @!p0 $0xFFFFA800  }
0x40: {  	[hbm4b:s4+s9] =	stream.linear.scatter @!p0 [tilespmem:s19], [sflag:$0x6], $0x5800, $0x38;
	[tilespmem:$0x10800] =	vst v63  }
0x41: {  	_ =	swait.ge @!p0 [sflag:s21], $0x5800  }
0x42: {  	s23 =	simm.s32 @!p0 $0x5;
	s24 =	sadd.s32 $0xFFFFFFFF, s24;
	[sflag:s21] =	ssyncset.done @!p0 $0x0  }
0x43: {  	s23 =	simm.s32 @p0 $0x4;
	p2 =	sne.s32 s24, $0x0;
	[sflag:s21] =	ssyncadd.s32 @!p0 $0xFFFFA800  }
.Ltmp1:
0x44: {  	_ =	swait.ge [sflag:s23], $0x5800;
	(pc) =	sbr.rel @!p2 .LBB2_4-.Ltmp1, $4  }
0x45: {  	s22 =	simm.s32 @!p0 $0x6;
	[sflag:s23] =	ssyncset.done $0x0  }
0x46: {  	s22 =	simm.s32 @p0 $0x5;
	[sflag:s23] =	ssyncadd.s32 $0xFFFFA800  }
0x47: {  	_ =	swait.ge [sflag:s22], $0x5800  }
0x48: {  	p1 =	por $0x1, $0x1;
	[sflag:s22] =	ssyncset.done $0x0  }
.LBB2_3:
0x49: {  	s25 =	simm.s32 @!p0 $0x0;
	[sflag:s22] =	ssyncadd.s32 $0xFFFFA800  }
0x4a: {  	[tilespmem:s19], [sflag:$0x3] =	stream.linear.gather @!p0 [hbm4b:s5+s9], $0x5800, $0x38;
	[tilespmem:$0x10800] =	vst v63  }
0x4b: {  	s24 =	sadd.s32 $0xFFFFFFFF, s24  }
0x4c: {  	[tilespmem:s2], [sflag:$0x1] =	stream.linear.gather [hbm4b:s15+s2], $0x5800, $0x38;
	[tilespmem:$0x10800] =	vst v63  }
0x4d: {  	p2 =	sne.s32 s24, $0x0  }
0x4e: {  	[tilespmem:s3], [sflag:$0x2] =	stream.linear.gather [hbm4b:s16+s2], $0x5800, $0x38;
	[tilespmem:$0x10800] =	vst v63  }
0x4f: {  	_ =	swait.ge [sflag:s14], $0x5800  }
0x50: {  	[sflag:s14] =	ssyncset.done $0x0  }
0x51: {  	[sflag:s14] =	ssyncadd.s32 $0xFFFFA800  }
0x52: {  	[hbm4b:s13+s2] =	stream.linear.scatter [tilespmem:s2], [sflag:$0x4], $0x5800, $0x38;
	[tilespmem:$0x10800] =	vst v63  }
0x53: {  	_ =	swait.ge [sflag:s10], $0x5800  }
0x54: {  	[sflag:s10] =	ssyncset.done $0x0  }
0x55: {  	[sflag:s10] =	ssyncadd.s32 $0xFFFFA800  }
0x56: {  	[hbm4b:s12+s2] =	stream.linear.scatter [tilespmem:s3], [sflag:$0x5], $0x5800, $0x38;
	[tilespmem:$0x10800] =	vst v63  }
0x57: {  	_ =	swait.ge [sflag:s18], $0x5800  }
0x58: {  	[sflag:s18] =	ssyncset.done $0x0  }
0x59: {  	[sflag:s18] =	ssyncadd.s32 $0xFFFFA800  }
0x5a: {  	[tilespmem:s2], [sflag:$0x1] =	stream.linear.gather [hbm4b:s11+s2], $0x5800, $0x38;
	[tilespmem:$0x10800] =	vst v63  }
0x5b: {  	_ =	swait.ge [sflag:s14], $0x5800  }
0x5c: {  	[sflag:s14] =	ssyncset.done $0x0  }
0x5d: {  	[sflag:s14] =	ssyncadd.s32 $0xFFFFA800  }
0x5e: {  	[hbm4b:s8+s2] =	stream.linear.scatter [tilespmem:s2], [sflag:$0x4], $0x5800, $0x38;
	[tilespmem:$0x10800] =	vst v63  }
0x5f: {  	_ =	swait.ge [sflag:s17], $0x5800  }
0x60: {  	[sflag:s17] =	ssyncset.done $0x0  }
0x61: {  	[sflag:s17] =	ssyncadd.s32 $0xFFFFA800  }
0x62: {  	[tilespmem:s3], [sflag:$0x2] =	stream.linear.gather [hbm4b:s7+s2], $0x5800, $0x38;
	[tilespmem:$0x10800] =	vst v63  }
0x63: {  	_ =	swait.ge [sflag:s10], $0x5800  }
0x64: {  	[sflag:s10] =	ssyncset.done $0x0  }
0x65: {  	[sflag:s10] =	ssyncadd.s32 $0xFFFFA800  }
0x66: {  	[hbm4b:s6+s2] =	stream.linear.scatter [tilespmem:s3], [sflag:$0x5], $0x5800, $0x38;
	[tilespmem:$0x10800] =	vst v63  }
0x67: {  	_ =	swait.ge @!p0 [sflag:s20], $0x5800  }
0x68: {  	[sflag:s20] =	ssyncset.done @!p0 $0x0  }
0x69: {  	[sflag:s20] =	ssyncadd.s32 @!p0 $0xFFFFA800  }
0x6a: {  	[hbm4b:s4+s9] =	stream.linear.scatter @!p0 [tilespmem:s19], [sflag:$0x6], $0x5800, $0x38;
	[tilespmem:$0x10800] =	vst v63  }
0x6b: {  	s9 =	smov.u32 s25;
	_ =	swait.ge @!p0 [sflag:s21], $0x5800  }
0x6c: {  	[sflag:s21] =	ssyncset.done @!p0 $0x0  }
0x6d: {  	[sflag:s21] =	ssyncadd.s32 @!p0 $0xFFFFA800  }
.Ltmp2:
0x6e: {  	_ =	swait.ge [sflag:s23], $0x5800;
	(pc) =	sbr.rel @p2 .LBB2_3-.Ltmp2, $4  }
0x6f: {  	[sflag:s23] =	ssyncset.done $0x0  }
0x70: {  	[sflag:s23] =	ssyncadd.s32 $0xFFFFA800  }
0x71: {  	_ =	swait.ge [sflag:s22], $0x5800  }
0x72: {  	[sflag:s22] =	ssyncset.done $0x0  }
.LBB2_4:
0x73: {  	s19 =	simm.s32 @!p0 $0xB000;
	[sflag:s22] =	ssyncadd.s32 @p1 $0xFFFFA800  }
0x74: {  	[tilespmem:s19], [sflag:$0x3] =	stream.linear.gather @!p0 [hbm4b:s5+s9], $0x5800, $0x38;
	[tilespmem:$0x10800] =	vst v63  }
0x75: {  	_ = 	snop  }
0x76: {  	[tilespmem:s2], [sflag:$0x1] =	stream.linear.gather [hbm4b:s15+s2], $0x5800, $0x38;
	[tilespmem:$0x10800] =	vst v63  }
0x77: {  	_ = 	snop  }
0x78: {  	[tilespmem:s3], [sflag:$0x2] =	stream.linear.gather [hbm4b:s16+s2], $0x5800, $0x38;
	[tilespmem:$0x10800] =	vst v63  }
0x79: {  	_ =	swait.ge [sflag:s14], $0x5800  }
0x7a: {  	[sflag:s14] =	ssyncset.done $0x0  }
0x7b: {  	[sflag:s14] =	ssyncadd.s32 $0xFFFFA800  }
0x7c: {  	[hbm4b:s13+s2] =	stream.linear.scatter [tilespmem:s2], [sflag:$0x4], $0x5800, $0x38;
	[tilespmem:$0x10800] =	vst v63  }
0x7d: {  	_ =	swait.ge [sflag:s10], $0x5800  }
0x7e: {  	[sflag:s10] =	ssyncset.done $0x0  }
0x7f: {  	[sflag:s10] =	ssyncadd.s32 $0xFFFFA800  }
0x80: {  	[hbm4b:s12+s2] =	stream.linear.scatter [tilespmem:s3], [sflag:$0x5], $0x5800, $0x38;
	[tilespmem:$0x10800] =	vst v63  }
0x81: {  	_ =	swait.ge [sflag:s18], $0x5800  }
0x82: {  	[sflag:s18] =	ssyncset.done $0x0  }
0x83: {  	[sflag:s18] =	ssyncadd.s32 $0xFFFFA800  }
0x84: {  	[tilespmem:s2], [sflag:$0x1] =	stream.linear.gather [hbm4b:s11+s2], $0x5800, $0x38;
	[tilespmem:$0x10800] =	vst v63  }
0x85: {  	_ =	swait.ge [sflag:s14], $0x5800  }
0x86: {  	[sflag:s14] =	ssyncset.done $0x0  }
0x87: {  	[sflag:s14] =	ssyncadd.s32 $0xFFFFA800  }
0x88: {  	[hbm4b:s8+s2] =	stream.linear.scatter [tilespmem:s2], [sflag:$0x4], $0x5800, $0x38;
	[tilespmem:$0x10800] =	vst v63  }
0x89: {  	_ =	swait.ge [sflag:s17], $0x5800  }
0x8a: {  	[sflag:s17] =	ssyncset.done $0x0  }
0x8b: {  	[sflag:s17] =	ssyncadd.s32 $0xFFFFA800  }
0x8c: {  	[tilespmem:s3], [sflag:$0x2] =	stream.linear.gather [hbm4b:s7+s2], $0x5800, $0x38;
	[tilespmem:$0x10800] =	vst v63  }
0x8d: {  	_ =	swait.ge [sflag:s10], $0x5800  }
0x8e: {  	[sflag:s10] =	ssyncset.done $0x0  }
0x8f: {  	s5 =	simm.s32 @!p0 $0x3;
	[sflag:s10] =	ssyncadd.s32 $0xFFFFA800  }
0x90: {  	[hbm4b:s6+s2] =	stream.linear.scatter [tilespmem:s3], [sflag:$0x5], $0x5800, $0x38;
	[tilespmem:$0x10800] =	vst v63  }
0x91: {  	_ =	swait.ge @!p0 [sflag:s5], $0x5800  }
0x92: {  	[sflag:s5] =	ssyncset.done @!p0 $0x0  }
0x93: {  	s2 =	simm.s32 @!p0 $0x4;
	[sflag:s5] =	ssyncadd.s32 @!p0 $0xFFFFA800  }
0x94: {  	[hbm4b:s4+s9] =	stream.linear.scatter @!p0 [tilespmem:s19], [sflag:$0x6], $0x5800, $0x38;
	[tilespmem:$0x10800] =	vst v63  }
0x95: {  	_ =	swait.ge @!p0 [sflag:s2], $0x5800  }
0x96: {  	s3 =	simm.s32 @!p0 $0x5;
	[sflag:s2] =	ssyncset.done @!p0 $0x0  }
0x97: {  	s3 =	simm.s32 @p0 $0x4;
	[sflag:s2] =	ssyncadd.s32 @!p0 $0xFFFFA800  }
0x98: {  	_ =	swait.ge [sflag:s3], $0x5800  }
0x99: {  	s2 =	simm.s32 @!p0 $0x6;
	[sflag:s3] =	ssyncset.done $0x0  }
0x9a: {  	s2 =	simm.s32 @p0 $0x5;
	[sflag:s3] =	ssyncadd.s32 $0xFFFFA800  }
0x9b: {  	_ =	swait.ge [sflag:s2], $0x5800  }
0x9c: {  	[sflag:s2] =	ssyncset.done $0x0  }
0x9d: {  	[sflag:s2] =	ssyncadd.s32 $0xFFFFA800  }
0x9e: {  	_ =	sfence.sel $0x180000  }
0x9f: {  	[bflag:$0x0] =	sbarrier.arrive $0xFFFF  }
0xa0: {  	p0 =	sne.s32 s0, $0x0;
	_ =	strace $0x90000047  }
0xa1: {  	s0 =	sadd.s32 @!p0 $0x100000, s1;
	[bflag:$0x2] =	sbarrier.arrive $0xFFFF  }
0xa2: {  	[sflag:s0] =	ssyncadd.tile.s32 @!p0 $0x1;
	_ =	shalt  }
.LBB2_1:
.Ltmp3:
0xa3: {  	(pc) =	sbr.rel .LBB2_4-.Ltmp3, $2  }
0xa4: {  	_ =	sdelay $0x2  }
0xa5: {  	_ = 	snop  }
.Lfunc_end2:
_tile_overlayer_lowered:
.L_overlay_start_2:
0xa6: {  	(tag) =	ssettag $0x2  }
0xa7: {  	s0 =	rddreg [dreg:$0x0];
	s2 =	stileid.u32  }
0xa8: {  	s1 =	rddreg [dreg:$0x1];
	p0 =	sne.s32 s2, $0x0  }
0xa9: {  	s3 =	rddreg [dreg:$0x2];
	[bflag:$0x3] =	sbarrier.arrive $0xFFFF;
	s2 =	simm.s32 @!p0 $0x1C07  }
0xaa: {  	[timem:s3], [sflag:s2] =	dma.local @!p0 [hbm:s0], s1  }
0xab: {  	s0 =	simm.s32 @!p0 $0x7  }
0xac: {  	_ =	swait.ge @!p0 [sflag:s0], s1  }
0xad: {  	s1 =	ssub.s32 @!p0 $0x0, s1;
	[sflag:s0] =	ssyncset.done @!p0 $0x0  }
0xae: {  	[sflag:s0] =	ssyncadd.s32 @!p0 s1  }
0xaf: {  	[bflag:$0x3] =	sbarrier.arrive $0xFFFF  }
0xb0: {  	_ =	shalt  }

</sc_bundles>
